<compile_context>
chip_gen: v7x
topology: tpu7x:2x2x1
jax: 0.10.2.dev20260603
libtpu: 0.0.44.dev20260713+nightly
codegen_flags: <defaults>
</compile_context>

<pallas_src>
import functools

import jax
import jax.numpy as jnp
from jax import lax
from jax.experimental import pallas as pl
from jax.experimental.pallas import tpu as pltpu
from jax.experimental.pallas import tpu_sc as plsc

F = 26
SV = 1001
E = 32
B = 4096
HIST = 200
DNN = 256
HID = 128
IN_DIM = F * E + E

V1 = 1000001
TXB = 4096
TXG = (V1 + 4 * TXB - 1) // (4 * TXB)
VPAD = TXG * 4 * TXB
LASTB = (V1 + TXB - 1) // TXB - 1

NC, NS, L = 2, 16, 16
NW = NC * NS
BPW = B // NW

HCB = 4
HCR = HCB * HIST
HNC = BPW // HCB
FPW = BPW * F
FNC = 8
FCR = FPW // FNC


def _sc_gather_pool(tflat, fidx, item_table, hist_flat):
    mesh = plsc.VectorSubcoreMesh(core_axis_name="c", subcore_axis_name="s")

    @functools.partial(
        pl.kernel,
        out_type=[
            jax.ShapeDtypeStruct((B * F, E), jnp.float32),
            jax.ShapeDtypeStruct((B, E), jnp.float32),
        ],
        mesh=mesh,
        compiler_params=pltpu.CompilerParams(use_tc_tiling_on_sc=False),
        scratch_types=[
            pltpu.VMEM((FPW,), jnp.int32),
            pltpu.VMEM((2, FCR, E), jnp.float32),
            pltpu.VMEM((BPW * HIST,), jnp.int32),
            pltpu.VMEM((2, HCR, E), jnp.float32),
            pltpu.VMEM((BPW, E), jnp.float32),
            [pltpu.SemaphoreType.DMA] * 2,
            [pltpu.SemaphoreType.DMA] * 2,
            [pltpu.SemaphoreType.DMA] * 2,
        ],
    )
    def k(tflat_hbm, fidx_hbm, item_hbm, hidx_hbm, fout_hbm, sout_hbm,
          fidx_v, frow_v, hidx_v, hrow_v, sout_v, hsem, fsem, wsem):
        wid = lax.axis_index("s") * NC + lax.axis_index("c")

        pltpu.sync_copy(fidx_hbm.at[pl.ds(wid * FPW, FPW)], fidx_v)
        for c in range(2):
            pltpu.async_copy(tflat_hbm.at[fidx_v.at[pl.ds(c * FCR, FCR)]],
                             frow_v.at[c], fsem[c])
        for c in range(FNC):
            t = c % 2
            pltpu.make_async_copy(tflat_hbm.at[pl.ds(0, FCR)], frow_v.at[t],
                                  fsem[t]).wait()
            pltpu.async_copy(
                frow_v.at[t],
                fout_hbm.at[pl.ds(wid * FPW + c * FCR, FCR)], wsem[t])
            if c + 2 < FNC:
                pltpu.make_async_copy(tflat_hbm.at[pl.ds(0, FCR)],
                                      frow_v.at[t], wsem[t]).wait()
                pltpu.async_copy(
                    tflat_hbm.at[fidx_v.at[pl.ds((c + 2) * FCR, FCR)]],
                    frow_v.at[t], fsem[t])
        for c in range(FNC - 2, FNC):
            pltpu.make_async_copy(tflat_hbm.at[pl.ds(0, FCR)],
                                  frow_v.at[c % 2], wsem[c % 2]).wait()

        pltpu.sync_copy(hidx_hbm.at[pl.ds(wid * BPW * HIST, BPW * HIST)],
                        hidx_v)

        def hstart(c, slot):
            pltpu.async_copy(item_hbm.at[hidx_v.at[pl.ds(c * HCR, HCR)]],
                             hrow_v.at[slot], hsem[slot])

        for s in range(2):
            hstart(s, s)

        def hbody(jj, carry):
            for s in range(2):
                c = jj * 2 + s
                pltpu.make_async_copy(item_hbm.at[pl.ds(0, HCR)],
                                      hrow_v.at[s], hsem[s]).wait()
                for bb in range(HCB):
                    r0 = bb * HIST

                    def rbody(h4, accs):
                        a0, a1, c0, c1 = accs
                        h = r0 + h4 * 4
                        a0 = a0 + hrow_v[s, h, pl.ds(0, L)]
                        a1 = a1 + hrow_v[s, h, pl.ds(L, L)]
                        c0 = c0 + hrow_v[s, h + 1, pl.ds(0, L)]
                        c1 = c1 + hrow_v[s, h + 1, pl.ds(L, L)]
                        a0 = a0 + hrow_v[s, h + 2, pl.ds(0, L)]
                        a1 = a1 + hrow_v[s, h + 2, pl.ds(L, L)]
                        c0 = c0 + hrow_v[s, h + 3, pl.ds(0, L)]
                        c1 = c1 + hrow_v[s, h + 3, pl.ds(L, L)]
                        return (a0, a1, c0, c1)

                    zero = jnp.zeros((L,), jnp.float32)
                    a0, a1, c0, c1 = lax.fori_loop(
                        0, HIST // 4, rbody, (zero, zero, zero, zero),
                        unroll=False)
                    b = c * HCB + bb
                    sout_v[b, pl.ds(0, L)] = a0 + c0
                    sout_v[b, pl.ds(L, L)] = a1 + c1
                hstart(jnp.minimum(c + 2, HNC - 1), s)
            return carry

        lax.fori_loop(0, HNC // 2, hbody, 0, unroll=False)
        for s in range(2):
            pltpu.make_async_copy(item_hbm.at[pl.ds(0, HCR)],
                                  hrow_v.at[s], hsem[s]).wait()
        pltpu.sync_copy(sout_v, sout_hbm.at[pl.ds(wid * BPW, BPW)])

    return k(tflat, fidx, item_table, hist_flat)


def _tx_body(i0, i1, i2, i3, o_ref):
    s = jnp.concatenate([i0[...], i1[...], i2[...], i3[...]], axis=0)
    o_ref[...] = jnp.transpose(s, (1, 0))


def _tx(itemT):
    return pl.pallas_call(
        _tx_body,
        grid=(TXG,),
        in_specs=[
            pl.BlockSpec((E, TXB),
                         lambda i, a=a: (0, jnp.minimum(4 * i + a, LASTB)))
            for a in range(4)
        ],
        out_specs=pl.BlockSpec((TXB, 128), lambda i: (i, 0)),
        out_shape=jax.ShapeDtypeStruct((TXG * TXB, 128), jnp.float32),
    )(itemT, itemT, itemT, itemT)


def _mlp_body(f_ref, s_ref, h_ref, w1_ref, b1_ref, w2_ref, b2_ref, o_ref):
    x1 = f_ref[...]
    counts = jnp.sum((h_ref[...] != 0).astype(jnp.float32), axis=1,
                     keepdims=True)
    x2 = jnp.where(counts > 0.0, s_ref[...] / jnp.maximum(counts, 1.0), 0.0)
    h = jnp.dot(x1, w1_ref[0:F * E, :], preferred_element_type=jnp.float32)
    h = h + jnp.dot(x2, w1_ref[F * E:IN_DIM, :],
                    preferred_element_type=jnp.float32)
    h = jnp.maximum(h + b1_ref[...], 0.0)
    o_ref[...] = (jnp.dot(h, w2_ref[...], preferred_element_type=jnp.float32)
                  + b2_ref[...])


def _mlp(femb, seq_sum, history, W1, b1, W2, b2):
    BM = 256
    return pl.pallas_call(
        _mlp_body,
        grid=(B // BM,),
        in_specs=[
            pl.BlockSpec((BM, F * E), lambda i: (i, 0)),
            pl.BlockSpec((BM, E), lambda i: (i, 0)),
            pl.BlockSpec((BM, HIST), lambda i: (i, 0)),
            pl.BlockSpec((IN_DIM, DNN), lambda i: (0, 0)),
            pl.BlockSpec((1, DNN), lambda i: (0, 0)),
            pl.BlockSpec((DNN, HID), lambda i: (0, 0)),
            pl.BlockSpec((1, HID), lambda i: (0, 0)),
        ],
        out_specs=pl.BlockSpec((BM, HID), lambda i: (i, 0)),
        out_shape=jax.ShapeDtypeStruct((B, HID), jnp.float32),
    )(femb, seq_sum, history, W1, b1[None, :], W2, b2[None, :])


def kernel(sparse_indices, history, sparse_tables, item_table, W1, b1, W2, b2):
    tflat = sparse_tables.reshape(F * SV, E)
    fidx = (sparse_indices.astype(jnp.int32)
            + (jnp.arange(F, dtype=jnp.int32) * SV)[None, :])
    fidx = fidx.reshape(B * F)
    h32 = history.astype(jnp.int32)
    hist_remap = ((h32 & ~(4 * TXB - 1)) | ((h32 & (TXB - 1)) << 2)
                  | ((h32 // TXB) & 3))
    hist_flat = hist_remap.reshape(B * HIST)
    item_lin = _tx(item_table.T).reshape(VPAD, E)
    frows, seq_sum = _sc_gather_pool(tflat, fidx, item_lin, hist_flat)
    femb = frows.reshape(B, F * E)
    return _mlp(femb, seq_sum, history, W1, b1, W2, b2)

# --- scband reference (transcript-rebuilt; emitter-appended) ---
"""Pipeline reference for scband-context-tower-11759620456952 (READ-ONLY COPY).

The authoritative reference and input builder live on the scoring server;
editing this copy changes nothing except your own understanding.
"""

import jax, jax.numpy as jnp
import numpy as np

N_FIELDS = 26
SPARSE_VOCAB = 1000
ITEM_VOCAB = 1000000
EMB = 32
B = 4096
HIST = 200
DNN = 256
HID = 128
IN_DIM = N_FIELDS * EMB + EMB


def setup_inputs(seed: int = 0) -> dict:
    key = jax.random.key(seed)
    ks = jax.random.split(key, 8)
    sparse_indices = jax.random.randint(ks[0], (B, N_FIELDS), 0, SPARSE_VOCAB)
    history = jax.random.randint(ks[1], (B, HIST), 0, ITEM_VOCAB)
    # per-field embedding tables, padding_idx=0 => row 0 is zeros
    sparse_tables = jax.random.normal(ks[2], (N_FIELDS, SPARSE_VOCAB + 1, EMB), dtype=jnp.float32) * 0.02
    sparse_tables = sparse_tables.at[:, 0, :].set(0.0)
    item_table = jax.random.normal(ks[3], (ITEM_VOCAB + 1, EMB), dtype=jnp.float32) * 0.02
    W1 = jax.random.normal(ks[4], (IN_DIM, DNN), dtype=jnp.float32) * (1.0 / np.sqrt(IN_DIM))
    b1 = jnp.zeros((DNN,), jnp.float32)
    W2 = jax.random.normal(ks[5], (DNN, HID), dtype=jnp.float32) * (1.0 / np.sqrt(DNN))
    b2 = jnp.zeros((HID,), jnp.float32)
    return {"sparse_indices": sparse_indices, "history": history,
            "sparse_tables": sparse_tables, "item_table": item_table,
            "W1": W1, "b1": b1, "W2": W2, "b2": b2}


def reference(sparse_indices, history, sparse_tables, item_table, W1, b1, W2, b2):
    # sparse feature embedding lookups (one table per field)
    field_emb = jax.vmap(lambda tbl, idx: jnp.take(tbl, idx, axis=0))(sparse_tables, sparse_indices.T)  # [F, B, E]
    field_emb = jnp.transpose(field_emb, (1, 0, 2)).reshape(sparse_indices.shape[0], N_FIELDS * EMB)
    # user history mean-pooled item embedding (0 = padding)
    mask = (history != 0).astype(jnp.int32)
    user_seq_emb = jnp.take(item_table, history, axis=0).sum(axis=-2)  # [B, E]
    counts = mask.sum(axis=-1)
    valid = counts != 0
    denom = jnp.maximum(counts, 1).astype(jnp.float32)
    user_seq_emb = jnp.where(valid[:, None], user_seq_emb / denom[:, None], jnp.zeros_like(user_seq_emb))
    context_features = jnp.concatenate([field_emb, user_seq_emb], axis=-1)  # [B, IN_DIM]
    h = jax.nn.relu(context_features @ W1 + b1)
    return h @ W2 + b2

if __name__ == "__main__":
    import jax
    _d = setup_inputs()
    print(jax.jit(kernel)(*tuple(_d.values())))

</pallas_src>

<mosaic_0001>
#map = affine_map<(d0, d1) -> (0, 0)>
#map1 = affine_map<(d0, d1) -> (0)>
module attributes {stable_mosaic.version = 14 : i64} {
  func.func @k(%arg0: i32, %arg1: i32, %arg2: memref<26026x32xf32, #tpu.memory_space<hbm>>, %arg3: memref<106496xi32, #tpu.memory_space<hbm>>, %arg4: memref<1015808x32xf32, #tpu.memory_space<hbm>>, %arg5: memref<819200xi32, #tpu.memory_space<hbm>>, %arg6: memref<106496x32xf32, #tpu.memory_space<hbm>>, %arg7: memref<4096x32xf32, #tpu.memory_space<hbm>>, %arg8: memref<3328xi32, #tpu.memory_space<vmem>>, %arg9: memref<2x416x32xf32, #tpu.memory_space<vmem>>, %arg10: memref<25600xi32, #tpu.memory_space<vmem>>, %arg11: memref<2x800x32xf32, #tpu.memory_space<vmem>>, %arg12: memref<128x32xf32, #tpu.memory_space<vmem>>, %arg13: memref<!tpu.dma_semaphore, #tpu.memory_space<semaphore_mem>>, %arg14: memref<!tpu.dma_semaphore, #tpu.memory_space<semaphore_mem>>, %arg15: memref<!tpu.dma_semaphore, #tpu.memory_space<semaphore_mem>>, %arg16: memref<!tpu.dma_semaphore, #tpu.memory_space<semaphore_mem>>, %arg17: memref<!tpu.dma_semaphore, #tpu.memory_space<semaphore_mem>>, %arg18: memref<!tpu.dma_semaphore, #tpu.memory_space<semaphore_mem>>) attributes {dimension_semantics = [#tpu.dimension_semantics<core_parallel>, #tpu.dimension_semantics<subcore_parallel>], iteration_bounds = array<i64: 2, 16>, scalar_prefetch = 0 : i64, scratch_operands = 11 : i64, tpu.core_type = #tpu.core_type<sc_vector_subcore>, window_params = [{transform_indices = #map}, {transform_indices = #map1}, {transform_indices = #map}, {transform_indices = #map1}, {transform_indices = #map}, {transform_indices = #map}]} {
    %mul3A = arith.constant 2 : i32
    %mul3A_0 = arith.muli %arg1, %mul3A : i32
    %add3A = arith.addi %mul3A_0, %arg0 : i32
    %mul3A_1 = arith.constant 3328 : i32
    %mul3A_2 = arith.muli %add3A, %mul3A_1 : i32
    "tpu.region"() ({
      %run_scoped3A = tpu.sem_alloc : memref<!tpu.dma_semaphore, #tpu.memory_space<semaphore_mem>>
      %dma_start3A_518 = tpu.memref_slice %arg3[%mul3A_2] : memref<106496xi32, #tpu.memory_space<hbm>> -> memref<3328xi32, #tpu.memory_space<hbm>>
      %dma_start3A_519 = tpu.memref_slice %arg3[%mul3A_2] : memref<106496xi32, #tpu.memory_space<hbm>> -> memref<3328xi32, #tpu.memory_space<hbm>>
      tpu.enqueue_dma source(%dma_start3A_519 : memref<3328xi32, #tpu.memory_space<hbm>>) target(%arg8 : memref<3328xi32, #tpu.memory_space<vmem>>) target_semaphore(%run_scoped3A : memref<!tpu.dma_semaphore, #tpu.memory_space<semaphore_mem>>)
      %dma_wait3A_520 = tpu.memref_slice %arg3[%mul3A_2] : memref<106496xi32, #tpu.memory_space<hbm>> -> memref<3328xi32, #tpu.memory_space<hbm>>
      %dma_wait3A_521 = tpu.memref_slice %arg3[%mul3A_2] : memref<106496xi32, #tpu.memory_space<hbm>> -> memref<3328xi32, #tpu.memory_space<hbm>>
      tpu.wait_dma2 semaphore(%run_scoped3A : memref<!tpu.dma_semaphore, #tpu.memory_space<semaphore_mem>>) src(%dma_wait3A_521 : memref<3328xi32, #tpu.memory_space<hbm>>) dst(%arg8 : memref<3328xi32, #tpu.memory_space<vmem>>)
      tpu.yield
    }) : () -> ()
    %dma_start3A = arith.constant 0 : i32
    %dma_start3A_3 = arith.constant 0 : i32
    %dma_start3A_4 = arith.constant 0 : i32
    %dma_start3A_5 = tpu.memref_slice %arg9[%dma_start3A, %dma_start3A_3, %dma_start3A_4] : memref<2x416x32xf32, #tpu.memory_space<vmem>> -> memref<1x416x32xf32, #tpu.memory_space<vmem>>
    %dma_start3A_6 = tpu.memref_squeeze %dma_start3A_5 : memref<1x416x32xf32, #tpu.memory_space<vmem>> -> memref<416x32xf32, #tpu.memory_space<vmem>>
    %dma_start3A_7 = arith.constant 0 : i32
    %dma_start3A_8 = tpu.memref_slice %arg8[%dma_start3A_7] : memref<3328xi32, #tpu.memory_space<vmem>> -> memref<416xi32, #tpu.memory_space<vmem>>
    %dma_start3A_9 = arith.constant 0 : i32
    %dma_start3A_10 = arith.constant 0 : i32
    %dma_start3A_11 = tpu.memref_slice %arg2[%dma_start3A_9, %dma_start3A_10] : memref<26026x32xf32, #tpu.memory_space<hbm>> -> memref<26026x32xf32, #tpu.memory_space<hbm>>
    tpu.enqueue_indirect_dma source(%dma_start3A_11 : memref<26026x32xf32, #tpu.memory_space<hbm>>) target(%dma_start3A_6 : memref<416x32xf32, #tpu.memory_space<vmem>>) offsets(%dma_start3A_8 : memref<416xi32, #tpu.memory_space<vmem>>) semaphore(%arg15 : memref<!tpu.dma_semaphore, #tpu.memory_space<semaphore_mem>>)
    %dma_start3A_12 = arith.constant 1 : i32
    %dma_start3A_13 = arith.constant 0 : i32
    %dma_start3A_14 = arith.constant 0 : i32
    %dma_start3A_15 = tpu.memref_slice %arg9[%dma_start3A_12, %dma_start3A_13, %dma_start3A_14] : memref<2x416x32xf32, #tpu.memory_space<vmem>> -> memref<1x416x32xf32, #tpu.memory_space<vmem>>
    %dma_start3A_16 = tpu.memref_squeeze %dma_start3A_15 : memref<1x416x32xf32, #tpu.memory_space<vmem>> -> memref<416x32xf32, #tpu.memory_space<vmem>>
    %dma_start3A_17 = arith.constant 416 : i32
    %dma_start3A_18 = tpu.memref_slice %arg8[%dma_start3A_17] : memref<3328xi32, #tpu.memory_space<vmem>> -> memref<416xi32, #tpu.memory_space<vmem>>
    %dma_start3A_19 = arith.constant 0 : i32
    %dma_start3A_20 = arith.constant 0 : i32
    %dma_start3A_21 = tpu.memref_slice %arg2[%dma_start3A_19, %dma_start3A_20] : memref<26026x32xf32, #tpu.memory_space<hbm>> -> memref<26026x32xf32, #tpu.memory_space<hbm>>
    tpu.enqueue_indirect_dma source(%dma_start3A_21 : memref<26026x32xf32, #tpu.memory_space<hbm>>) target(%dma_start3A_16 : memref<416x32xf32, #tpu.memory_space<vmem>>) offsets(%dma_start3A_18 : memref<416xi32, #tpu.memory_space<vmem>>) semaphore(%arg16 : memref<!tpu.dma_semaphore, #tpu.memory_space<semaphore_mem>>)
    %dma_wait3A = arith.constant 0 : i32
    %dma_wait3A_22 = arith.constant 0 : i32
    %dma_wait3A_23 = arith.constant 0 : i32
    %dma_wait3A_24 = tpu.memref_slice %arg9[%dma_wait3A, %dma_wait3A_22, %dma_wait3A_23] : memref<2x416x32xf32, #tpu.memory_space<vmem>> -> memref<1x416x32xf32, #tpu.memory_space<vmem>>
    %dma_wait3A_25 = tpu.memref_squeeze %dma_wait3A_24 : memref<1x416x32xf32, #tpu.memory_space<vmem>> -> memref<416x32xf32, #tpu.memory_space<vmem>>
    %dma_wait3A_26 = arith.constant 0 : i32
    %dma_wait3A_27 = arith.constant 0 : i32
    %dma_wait3A_28 = tpu.memref_slice %arg2[%dma_wait3A_26, %dma_wait3A_27] : memref<26026x32xf32, #tpu.memory_space<hbm>> -> memref<416x32xf32, #tpu.memory_space<hbm>>
    %dma_wait3A_29 = arith.constant 0 : i32
    %dma_wait3A_30 = arith.constant 0 : i32
    %dma_wait3A_31 = tpu.memref_slice %arg9[%dma_wait3A, %dma_wait3A_29, %dma_wait3A_30] : memref<2x416x32xf32, #tpu.memory_space<vmem>> -> memref<1x416x32xf32, #tpu.memory_space<vmem>>
    %dma_wait3A_32 = tpu.memref_squeeze %dma_wait3A_31 : memref<1x416x32xf32, #tpu.memory_space<vmem>> -> memref<416x32xf32, #tpu.memory_space<vmem>>
    %dma_wait3A_33 = arith.constant 0 : i32
    %dma_wait3A_34 = arith.constant 0 : i32
    %dma_wait3A_35 = tpu.memref_slice %arg2[%dma_wait3A_33, %dma_wait3A_34] : memref<26026x32xf32, #tpu.memory_space<hbm>> -> memref<416x32xf32, #tpu.memory_space<hbm>>
    tpu.wait_dma2 semaphore(%arg15 : memref<!tpu.dma_semaphore, #tpu.memory_space<semaphore_mem>>) src(%dma_wait3A_35 : memref<416x32xf32, #tpu.memory_space<hbm>>) dst(%dma_wait3A_32 : memref<416x32xf32, #tpu.memory_space<vmem>>)
    %mul3A_36 = arith.constant 3328 : i32
    %mul3A_37 = arith.muli %add3A, %mul3A_36 : i32
    %add3A_38 = arith.constant 0 : i32
    %add3A_39 = arith.addi %mul3A_37, %add3A_38 : i32
    %dma_start3A_40 = arith.constant 0 : i32
    %dma_start3A_41 = arith.constant 0 : i32
    %dma_start3A_42 = arith.constant 0 : i32
    %dma_start3A_43 = tpu.memref_slice %arg9[%dma_start3A_40, %dma_start3A_41, %dma_start3A_42] : memref<2x416x32xf32, #tpu.memory_space<vmem>> -> memref<1x416x32xf32, #tpu.memory_space<vmem>>
    %dma_start3A_44 = tpu.memref_squeeze %dma_start3A_43 : memref<1x416x32xf32, #tpu.memory_space<vmem>> -> memref<416x32xf32, #tpu.memory_space<vmem>>
    %dma_start3A_45 = arith.constant 0 : i32
    %dma_start3A_46 = tpu.memref_slice %arg6[%add3A_39, %dma_start3A_45] : memref<106496x32xf32, #tpu.memory_space<hbm>> -> memref<416x32xf32, #tpu.memory_space<hbm>>
    %dma_start3A_47 = arith.constant 0 : i32
    %dma_start3A_48 = tpu.memref_slice %arg6[%add3A_39, %dma_start3A_47] : memref<106496x32xf32, #tpu.memory_space<hbm>> -> memref<416x32xf32, #tpu.memory_space<hbm>>
    %dma_start3A_49 = arith.constant 0 : i32
    %dma_start3A_50 = arith.constant 0 : i32
    %dma_start3A_51 = tpu.memref_slice %arg9[%dma_start3A_40, %dma_start3A_49, %dma_start3A_50] : memref<2x416x32xf32, #tpu.memory_space<vmem>> -> memref<1x416x32xf32, #tpu.memory_space<vmem>>
    %dma_start3A_52 = tpu.memref_squeeze %dma_start3A_51 : memref<1x416x32xf32, #tpu.memory_space<vmem>> -> memref<416x32xf32, #tpu.memory_space<vmem>>
    tpu.enqueue_dma source(%dma_start3A_52 : memref<416x32xf32, #tpu.memory_space<vmem>>) target(%dma_start3A_48 : memref<416x32xf32, #tpu.memory_space<hbm>>) target_semaphore(%arg17 : memref<!tpu.dma_semaphore, #tpu.memory_space<semaphore_mem>>)
    %dma_wait3A_53 = arith.constant 0 : i32
    %dma_wait3A_54 = arith.constant 0 : i32
    %dma_wait3A_55 = arith.constant 0 : i32
    %dma_wait3A_56 = tpu.memref_slice %arg9[%dma_wait3A_53, %dma_wait3A_54, %dma_wait3A_55] : memref<2x416x32xf32, #tpu.memory_space<vmem>> -> memref<1x416x32xf32, #tpu.memory_space<vmem>>
    %dma_wait3A_57 = tpu.memref_squeeze %dma_wait3A_56 : memref<1x416x32xf32, #tpu.memory_space<vmem>> -> memref<416x32xf32, #tpu.memory_space<vmem>>
    %dma_wait3A_58 = arith.constant 0 : i32
    %dma_wait3A_59 = arith.constant 0 : i32
    %dma_wait3A_60 = tpu.memref_slice %arg2[%dma_wait3A_58, %dma_wait3A_59] : memref<26026x32xf32, #tpu.memory_space<hbm>> -> memref<416x32xf32, #tpu.memory_space<hbm>>
    %dma_wait3A_61 = arith.constant 0 : i32
    %dma_wait3A_62 = arith.constant 0 : i32
    %dma_wait3A_63 = tpu.memref_slice %arg9[%dma_wait3A_53, %dma_wait3A_61, %dma_wait3A_62] : memref<2x416x32xf32, #tpu.memory_space<vmem>> -> memref<1x416x32xf32, #tpu.memory_space<vmem>>
    %dma_wait3A_64 = tpu.memref_squeeze %dma_wait3A_63 : memref<1x416x32xf32, #tpu.memory_space<vmem>> -> memref<416x32xf32, #tpu.memory_space<vmem>>
    %dma_wait3A_65 = arith.constant 0 : i32
    %dma_wait3A_66 = arith.constant 0 : i32
    %dma_wait3A_67 = tpu.memref_slice %arg2[%dma_wait3A_65, %dma_wait3A_66] : memref<26026x32xf32, #tpu.memory_space<hbm>> -> memref<416x32xf32, #tpu.memory_space<hbm>>
    tpu.wait_dma2 semaphore(%arg17 : memref<!tpu.dma_semaphore, #tpu.memory_space<semaphore_mem>>) src(%dma_wait3A_67 : memref<416x32xf32, #tpu.memory_space<hbm>>) dst(%dma_wait3A_64 : memref<416x32xf32, #tpu.memory_space<vmem>>)
    %dma_start3A_68 = arith.constant 0 : i32
    %dma_start3A_69 = arith.constant 0 : i32
    %dma_start3A_70 = arith.constant 0 : i32
    %dma_start3A_71 = tpu.memref_slice %arg9[%dma_start3A_68, %dma_start3A_69, %dma_start3A_70] : memref<2x416x32xf32, #tpu.memory_space<vmem>> -> memref<1x416x32xf32, #tpu.memory_space<vmem>>
    %dma_start3A_72 = tpu.memref_squeeze %dma_start3A_71 : memref<1x416x32xf32, #tpu.memory_space<vmem>> -> memref<416x32xf32, #tpu.memory_space<vmem>>
    %dma_start3A_73 = arith.constant 832 : i32
    %dma_start3A_74 = tpu.memref_slice %arg8[%dma_start3A_73] : memref<3328xi32, #tpu.memory_space<vmem>> -> memref<416xi32, #tpu.memory_space<vmem>>
    %dma_start3A_75 = arith.constant 0 : i32
    %dma_start3A_76 = arith.constant 0 : i32
    %dma_start3A_77 = tpu.memref_slice %arg2[%dma_start3A_75, %dma_start3A_76] : memref<26026x32xf32, #tpu.memory_space<hbm>> -> memref<26026x32xf32, #tpu.memory_space<hbm>>
    tpu.enqueue_indirect_dma source(%dma_start3A_77 : memref<26026x32xf32, #tpu.memory_space<hbm>>) target(%dma_start3A_72 : memref<416x32xf32, #tpu.memory_space<vmem>>) offsets(%dma_start3A_74 : memref<416xi32, #tpu.memory_space<vmem>>) semaphore(%arg15 : memref<!tpu.dma_semaphore, #tpu.memory_space<semaphore_mem>>)
    %dma_wait3A_78 = arith.constant 1 : i32
    %dma_wait3A_79 = arith.constant 0 : i32
    %dma_wait3A_80 = arith.constant 0 : i32
    %dma_wait3A_81 = tpu.memref_slice %arg9[%dma_wait3A_78, %dma_wait3A_79, %dma_wait3A_80] : memref<2x416x32xf32, #tpu.memory_space<vmem>> -> memref<1x416x32xf32, #tpu.memory_space<vmem>>
    %dma_wait3A_82 = tpu.memref_squeeze %dma_wait3A_81 : memref<1x416x32xf32, #tpu.memory_space<vmem>> -> memref<416x32xf32, #tpu.memory_space<vmem>>
    %dma_wait3A_83 = arith.constant 0 : i32
    %dma_wait3A_84 = arith.constant 0 : i32
    %dma_wait3A_85 = tpu.memref_slice %arg2[%dma_wait3A_83, %dma_wait3A_84] : memref<26026x32xf32, #tpu.memory_space<hbm>> -> memref<416x32xf32, #tpu.memory_space<hbm>>
    %dma_wait3A_86 = arith.constant 0 : i32
    %dma_wait3A_87 = arith.constant 0 : i32
    %dma_wait3A_88 = tpu.memref_slice %arg9[%dma_wait3A_78, %dma_wait3A_86, %dma_wait3A_87] : memref<2x416x32xf32, #tpu.memory_space<vmem>> -> memref<1x416x32xf32, #tpu.memory_space<vmem>>
    %dma_wait3A_89 = tpu.memref_squeeze %dma_wait3A_88 : memref<1x416x32xf32, #tpu.memory_space<vmem>> -> memref<416x32xf32, #tpu.memory_space<vmem>>
    %dma_wait3A_90 = arith.constant 0 : i32
    %dma_wait3A_91 = arith.constant 0 : i32
    %dma_wait3A_92 = tpu.memref_slice %arg2[%dma_wait3A_90, %dma_wait3A_91] : memref<26026x32xf32, #tpu.memory_space<hbm>> -> memref<416x32xf32, #tpu.memory_space<hbm>>
    tpu.wait_dma2 semaphore(%arg16 : memref<!tpu.dma_semaphore, #tpu.memory_space<semaphore_mem>>) src(%dma_wait3A_92 : memref<416x32xf32, #tpu.memory_space<hbm>>) dst(%dma_wait3A_89 : memref<416x32xf32, #tpu.memory_space<vmem>>)
    %mul3A_93 = arith.constant 3328 : i32
    %mul3A_94 = arith.muli %add3A, %mul3A_93 : i32
    %add3A_95 = arith.constant 416 : i32
    %add3A_96 = arith.addi %mul3A_94, %add3A_95 : i32
    %dma_start3A_97 = arith.constant 1 : i32
    %dma_start3A_98 = arith.constant 0 : i32
    %dma_start3A_99 = arith.constant 0 : i32
    %dma_start3A_100 = tpu.memref_slice %arg9[%dma_start3A_97, %dma_start3A_98, %dma_start3A_99] : memref<2x416x32xf32, #tpu.memory_space<vmem>> -> memref<1x416x32xf32, #tpu.memory_space<vmem>>
    %dma_start3A_101 = tpu.memref_squeeze %dma_start3A_100 : memref<1x416x32xf32, #tpu.memory_space<vmem>> -> memref<416x32xf32, #tpu.memory_space<vmem>>
    %dma_start3A_102 = arith.constant 0 : i32
    %dma_start3A_103 = tpu.memref_slice %arg6[%add3A_96, %dma_start3A_102] : memref<106496x32xf32, #tpu.memory_space<hbm>> -> memref<416x32xf32, #tpu.memory_space<hbm>>
    %dma_start3A_104 = arith.constant 0 : i32
    %dma_start3A_105 = tpu.memref_slice %arg6[%add3A_96, %dma_start3A_104] : memref<106496x32xf32, #tpu.memory_space<hbm>> -> memref<416x32xf32, #tpu.memory_space<hbm>>
    %dma_start3A_106 = arith.constant 0 : i32
    %dma_start3A_107 = arith.constant 0 : i32
    %dma_start3A_108 = tpu.memref_slice %arg9[%dma_start3A_97, %dma_start3A_106, %dma_start3A_107] : memref<2x416x32xf32, #tpu.memory_space<vmem>> -> memref<1x416x32xf32, #tpu.memory_space<vmem>>
    %dma_start3A_109 = tpu.memref_squeeze %dma_start3A_108 : memref<1x416x32xf32, #tpu.memory_space<vmem>> -> memref<416x32xf32, #tpu.memory_space<vmem>>
    tpu.enqueue_dma source(%dma_start3A_109 : memref<416x32xf32, #tpu.memory_space<vmem>>) target(%dma_start3A_105 : memref<416x32xf32, #tpu.memory_space<hbm>>) target_semaphore(%arg18 : memref<!tpu.dma_semaphore, #tpu.memory_space<semaphore_mem>>)
    %dma_wait3A_110 = arith.constant 1 : i32
    %dma_wait3A_111 = arith.constant 0 : i32
    %dma_wait3A_112 = arith.constant 0 : i32
    %dma_wait3A_113 = tpu.memref_slice %arg9[%dma_wait3A_110, %dma_wait3A_111, %dma_wait3A_112] : memref<2x416x32xf32, #tpu.memory_space<vmem>> -> memref<1x416x32xf32, #tpu.memory_space<vmem>>
    %dma_wait3A_114 = tpu.memref_squeeze %dma_wait3A_113 : memref<1x416x32xf32, #tpu.memory_space<vmem>> -> memref<416x32xf32, #tpu.memory_space<vmem>>
    %dma_wait3A_115 = arith.constant 0 : i32
    %dma_wait3A_116 = arith.constant 0 : i32
    %dma_wait3A_117 = tpu.memref_slice %arg2[%dma_wait3A_115, %dma_wait3A_116] : memref<26026x32xf32, #tpu.memory_space<hbm>> -> memref<416x32xf32, #tpu.memory_space<hbm>>
    %dma_wait3A_118 = arith.constant 0 : i32
    %dma_wait3A_119 = arith.constant 0 : i32
    %dma_wait3A_120 = tpu.memref_slice %arg9[%dma_wait3A_110, %dma_wait3A_118, %dma_wait3A_119] : memref<2x416x32xf32, #tpu.memory_space<vmem>> -> memref<1x416x32xf32, #tpu.memory_space<vmem>>
    %dma_wait3A_121 = tpu.memref_squeeze %dma_wait3A_120 : memref<1x416x32xf32, #tpu.memory_space<vmem>> -> memref<416x32xf32, #tpu.memory_space<vmem>>
    %dma_wait3A_122 = arith.constant 0 : i32
    %dma_wait3A_123 = arith.constant 0 : i32
    %dma_wait3A_124 = tpu.memref_slice %arg2[%dma_wait3A_122, %dma_wait3A_123] : memref<26026x32xf32, #tpu.memory_space<hbm>> -> memref<416x32xf32, #tpu.memory_space<hbm>>
    tpu.wait_dma2 semaphore(%arg18 : memref<!tpu.dma_semaphore, #tpu.memory_space<semaphore_mem>>) src(%dma_wait3A_124 : memref<416x32xf32, #tpu.memory_space<hbm>>) dst(%dma_wait3A_121 : memref<416x32xf32, #tpu.memory_space<vmem>>)
    %dma_start3A_125 = arith.constant 1 : i32
    %dma_start3A_126 = arith.constant 0 : i32
    %dma_start3A_127 = arith.constant 0 : i32
    %dma_start3A_128 = tpu.memref_slice %arg9[%dma_start3A_125, %dma_start3A_126, %dma_start3A_127] : memref<2x416x32xf32, #tpu.memory_space<vmem>> -> memref<1x416x32xf32, #tpu.memory_space<vmem>>
    %dma_start3A_129 = tpu.memref_squeeze %dma_start3A_128 : memref<1x416x32xf32, #tpu.memory_space<vmem>> -> memref<416x32xf32, #tpu.memory_space<vmem>>
    %dma_start3A_130 = arith.constant 1248 : i32
    %dma_start3A_131 = tpu.memref_slice %arg8[%dma_start3A_130] : memref<3328xi32, #tpu.memory_space<vmem>> -> memref<416xi32, #tpu.memory_space<vmem>>
    %dma_start3A_132 = arith.constant 0 : i32
    %dma_start3A_133 = arith.constant 0 : i32
    %dma_start3A_134 = tpu.memref_slice %arg2[%dma_start3A_132, %dma_start3A_133] : memref<26026x32xf32, #tpu.memory_space<hbm>> -> memref<26026x32xf32, #tpu.memory_space<hbm>>
    tpu.enqueue_indirect_dma source(%dma_start3A_134 : memref<26026x32xf32, #tpu.memory_space<hbm>>) target(%dma_start3A_129 : memref<416x32xf32, #tpu.memory_space<vmem>>) offsets(%dma_start3A_131 : memref<416xi32, #tpu.memory_space<vmem>>) semaphore(%arg16 : memref<!tpu.dma_semaphore, #tpu.memory_space<semaphore_mem>>)
    %dma_wait3A_135 = arith.constant 0 : i32
    %dma_wait3A_136 = arith.constant 0 : i32
    %dma_wait3A_137 = arith.constant 0 : i32
    %dma_wait3A_138 = tpu.memref_slice %arg9[%dma_wait3A_135, %dma_wait3A_136, %dma_wait3A_137] : memref<2x416x32xf32, #tpu.memory_space<vmem>> -> memref<1x416x32xf32, #tpu.memory_space<vmem>>
    %dma_wait3A_139 = tpu.memref_squeeze %dma_wait3A_138 : memref<1x416x32xf32, #tpu.memory_space<vmem>> -> memref<416x32xf32, #tpu.memory_space<vmem>>
    %dma_wait3A_140 = arith.constant 0 : i32
    %dma_wait3A_141 = arith.constant 0 : i32
    %dma_wait3A_142 = tpu.memref_slice %arg2[%dma_wait3A_140, %dma_wait3A_141] : memref<26026x32xf32, #tpu.memory_space<hbm>> -> memref<416x32xf32, #tpu.memory_space<hbm>>
    %dma_wait3A_143 = arith.constant 0 : i32
    %dma_wait3A_144 = arith.constant 0 : i32
    %dma_wait3A_145 = tpu.memref_slice %arg9[%dma_wait3A_135, %dma_wait3A_143, %dma_wait3A_144] : memref<2x416x32xf32, #tpu.memory_space<vmem>> -> memref<1x416x32xf32, #tpu.memory_space<vmem>>
    %dma_wait3A_146 = tpu.memref_squeeze %dma_wait3A_145 : memref<1x416x32xf32, #tpu.memory_space<vmem>> -> memref<416x32xf32, #tpu.memory_space<vmem>>
    %dma_wait3A_147 = arith.constant 0 : i32
    %dma_wait3A_148 = arith.constant 0 : i32
    %dma_wait3A_149 = tpu.memref_slice %arg2[%dma_wait3A_147, %dma_wait3A_148] : memref<26026x32xf32, #tpu.memory_space<hbm>> -> memref<416x32xf32, #tpu.memory_space<hbm>>
    tpu.wait_dma2 semaphore(%arg15 : memref<!tpu.dma_semaphore, #tpu.memory_space<semaphore_mem>>) src(%dma_wait3A_149 : memref<416x32xf32, #tpu.memory_space<hbm>>) dst(%dma_wait3A_146 : memref<416x32xf32, #tpu.memory_space<vmem>>)
    %mul3A_150 = arith.constant 3328 : i32
    %mul3A_151 = arith.muli %add3A, %mul3A_150 : i32
    %add3A_152 = arith.constant 832 : i32
    %add3A_153 = arith.addi %mul3A_151, %add3A_152 : i32
    %dma_start3A_154 = arith.constant 0 : i32
    %dma_start3A_155 = arith.constant 0 : i32
    %dma_start3A_156 = arith.constant 0 : i32
    %dma_start3A_157 = tpu.memref_slice %arg9[%dma_start3A_154, %dma_start3A_155, %dma_start3A_156] : memref<2x416x32xf32, #tpu.memory_space<vmem>> -> memref<1x416x32xf32, #tpu.memory_space<vmem>>
    %dma_start3A_158 = tpu.memref_squeeze %dma_start3A_157 : memref<1x416x32xf32, #tpu.memory_space<vmem>> -> memref<416x32xf32, #tpu.memory_space<vmem>>
    %dma_start3A_159 = arith.constant 0 : i32
    %dma_start3A_160 = tpu.memref_slice %arg6[%add3A_153, %dma_start3A_159] : memref<106496x32xf32, #tpu.memory_space<hbm>> -> memref<416x32xf32, #tpu.memory_space<hbm>>
    %dma_start3A_161 = arith.constant 0 : i32
    %dma_start3A_162 = tpu.memref_slice %arg6[%add3A_153, %dma_start3A_161] : memref<106496x32xf32, #tpu.memory_space<hbm>> -> memref<416x32xf32, #tpu.memory_space<hbm>>
    %dma_start3A_163 = arith.constant 0 : i32
    %dma_start3A_164 = arith.constant 0 : i32
    %dma_start3A_165 = tpu.memref_slice %arg9[%dma_start3A_154, %dma_start3A_163, %dma_start3A_164] : memref<2x416x32xf32, #tpu.memory_space<vmem>> -> memref<1x416x32xf32, #tpu.memory_space<vmem>>
    %dma_start3A_166 = tpu.memref_squeeze %dma_start3A_165 : memref<1x416x32xf32, #tpu.memory_space<vmem>> -> memref<416x32xf32, #tpu.memory_space<vmem>>
    tpu.enqueue_dma source(%dma_start3A_166 : memref<416x32xf32, #tpu.memory_space<vmem>>) target(%dma_start3A_162 : memref<416x32xf32, #tpu.memory_space<hbm>>) target_semaphore(%arg17 : memref<!tpu.dma_semaphore, #tpu.memory_space<semaphore_mem>>)
    %dma_wait3A_167 = arith.constant 0 : i32
    %dma_wait3A_168 = arith.constant 0 : i32
    %dma_wait3A_169 = arith.constant 0 : i32
    %dma_wait3A_170 = tpu.memref_slice %arg9[%dma_wait3A_167, %dma_wait3A_168, %dma_wait3A_169] : memref<2x416x32xf32, #tpu.memory_space<vmem>> -> memref<1x416x32xf32, #tpu.memory_space<vmem>>
    %dma_wait3A_171 = tpu.memref_squeeze %dma_wait3A_170 : memref<1x416x32xf32, #tpu.memory_space<vmem>> -> memref<416x32xf32, #tpu.memory_space<vmem>>
    %dma_wait3A_172 = arith.constant 0 : i32
    %dma_wait3A_173 = arith.constant 0 : i32
    %dma_wait3A_174 = tpu.memref_slice %arg2[%dma_wait3A_172, %dma_wait3A_173] : memref<26026x32xf32, #tpu.memory_space<hbm>> -> memref<416x32xf32, #tpu.memory_space<hbm>>
    %dma_wait3A_175 = arith.constant 0 : i32
    %dma_wait3A_176 = arith.constant 0 : i32
    %dma_wait3A_177 = tpu.memref_slice %arg9[%dma_wait3A_167, %dma_wait3A_175, %dma_wait3A_176] : memref<2x416x32xf32, #tpu.memory_space<vmem>> -> memref<1x416x32xf32, #tpu.memory_space<vmem>>
    %dma_wait3A_178 = tpu.memref_squeeze %dma_wait3A_177 : memref<1x416x32xf32, #tpu.memory_space<vmem>> -> memref<416x32xf32, #tpu.memory_space<vmem>>
    %dma_wait3A_179 = arith.constant 0 : i32
    %dma_wait3A_180 = arith.constant 0 : i32
    %dma_wait3A_181 = tpu.memref_slice %arg2[%dma_wait3A_179, %dma_wait3A_180] : memref<26026x32xf32, #tpu.memory_space<hbm>> -> memref<416x32xf32, #tpu.memory_space<hbm>>
    tpu.wait_dma2 semaphore(%arg17 : memref<!tpu.dma_semaphore, #tpu.memory_space<semaphore_mem>>) src(%dma_wait3A_181 : memref<416x32xf32, #tpu.memory_space<hbm>>) dst(%dma_wait3A_178 : memref<416x32xf32, #tpu.memory_space<vmem>>)
    %dma_start3A_182 = arith.constant 0 : i32
    %dma_start3A_183 = arith.constant 0 : i32
    %dma_start3A_184 = arith.constant 0 : i32
    %dma_start3A_185 = tpu.memref_slice %arg9[%dma_start3A_182, %dma_start3A_183, %dma_start3A_184] : memref<2x416x32xf32, #tpu.memory_space<vmem>> -> memref<1x416x32xf32, #tpu.memory_space<vmem>>
    %dma_start3A_186 = tpu.memref_squeeze %dma_start3A_185 : memref<1x416x32xf32, #tpu.memory_space<vmem>> -> memref<416x32xf32, #tpu.memory_space<vmem>>
    %dma_start3A_187 = arith.constant 1664 : i32
    %dma_start3A_188 = tpu.memref_slice %arg8[%dma_start3A_187] : memref<3328xi32, #tpu.memory_space<vmem>> -> memref<416xi32, #tpu.memory_space<vmem>>
    %dma_start3A_189 = arith.constant 0 : i32
    %dma_start3A_190 = arith.constant 0 : i32
    %dma_start3A_191 = tpu.memref_slice %arg2[%dma_start3A_189, %dma_start3A_190] : memref<26026x32xf32, #tpu.memory_space<hbm>> -> memref<26026x32xf32, #tpu.memory_space<hbm>>
    tpu.enqueue_indirect_dma source(%dma_start3A_191 : memref<26026x32xf32, #tpu.memory_space<hbm>>) target(%dma_start3A_186 : memref<416x32xf32, #tpu.memory_space<vmem>>) offsets(%dma_start3A_188 : memref<416xi32, #tpu.memory_space<vmem>>) semaphore(%arg15 : memref<!tpu.dma_semaphore, #tpu.memory_space<semaphore_mem>>)
    %dma_wait3A_192 = arith.constant 1 : i32
    %dma_wait3A_193 = arith.constant 0 : i32
    %dma_wait3A_194 = arith.constant 0 : i32
    %dma_wait3A_195 = tpu.memref_slice %arg9[%dma_wait3A_192, %dma_wait3A_193, %dma_wait3A_194] : memref<2x416x32xf32, #tpu.memory_space<vmem>> -> memref<1x416x32xf32, #tpu.memory_space<vmem>>
    %dma_wait3A_196 = tpu.memref_squeeze %dma_wait3A_195 : memref<1x416x32xf32, #tpu.memory_space<vmem>> -> memref<416x32xf32, #tpu.memory_space<vmem>>
    %dma_wait3A_197 = arith.constant 0 : i32
    %dma_wait3A_198 = arith.constant 0 : i32
    %dma_wait3A_199 = tpu.memref_slice %arg2[%dma_wait3A_197, %dma_wait3A_198] : memref<26026x32xf32, #tpu.memory_space<hbm>> -> memref<416x32xf32, #tpu.memory_space<hbm>>
    %dma_wait3A_200 = arith.constant 0 : i32
    %dma_wait3A_201 = arith.constant 0 : i32
    %dma_wait3A_202 = tpu.memref_slice %arg9[%dma_wait3A_192, %dma_wait3A_200, %dma_wait3A_201] : memref<2x416x32xf32, #tpu.memory_space<vmem>> -> memref<1x416x32xf32, #tpu.memory_space<vmem>>
    %dma_wait3A_203 = tpu.memref_squeeze %dma_wait3A_202 : memref<1x416x32xf32, #tpu.memory_space<vmem>> -> memref<416x32xf32, #tpu.memory_space<vmem>>
    %dma_wait3A_204 = arith.constant 0 : i32
    %dma_wait3A_205 = arith.constant 0 : i32
    %dma_wait3A_206 = tpu.memref_slice %arg2[%dma_wait3A_204, %dma_wait3A_205] : memref<26026x32xf32, #tpu.memory_space<hbm>> -> memref<416x32xf32, #tpu.memory_space<hbm>>
    tpu.wait_dma2 semaphore(%arg16 : memref<!tpu.dma_semaphore, #tpu.memory_space<semaphore_mem>>) src(%dma_wait3A_206 : memref<416x32xf32, #tpu.memory_space<hbm>>) dst(%dma_wait3A_203 : memref<416x32xf32, #tpu.memory_space<vmem>>)
    %mul3A_207 = arith.constant 3328 : i32
    %mul3A_208 = arith.muli %add3A, %mul3A_207 : i32
    %add3A_209 = arith.constant 1248 : i32
    %add3A_210 = arith.addi %mul3A_208, %add3A_209 : i32
    %dma_start3A_211 = arith.constant 1 : i32
    %dma_start3A_212 = arith.constant 0 : i32
    %dma_start3A_213 = arith.constant 0 : i32
    %dma_start3A_214 = tpu.memref_slice %arg9[%dma_start3A_211, %dma_start3A_212, %dma_start3A_213] : memref<2x416x32xf32, #tpu.memory_space<vmem>> -> memref<1x416x32xf32, #tpu.memory_space<vmem>>
    %dma_start3A_215 = tpu.memref_squeeze %dma_start3A_214 : memref<1x416x32xf32, #tpu.memory_space<vmem>> -> memref<416x32xf32, #tpu.memory_space<vmem>>
    %dma_start3A_216 = arith.constant 0 : i32
    %dma_start3A_217 = tpu.memref_slice %arg6[%add3A_210, %dma_start3A_216] : memref<106496x32xf32, #tpu.memory_space<hbm>> -> memref<416x32xf32, #tpu.memory_space<hbm>>
    %dma_start3A_218 = arith.constant 0 : i32
    %dma_start3A_219 = tpu.memref_slice %arg6[%add3A_210, %dma_start3A_218] : memref<106496x32xf32, #tpu.memory_space<hbm>> -> memref<416x32xf32, #tpu.memory_space<hbm>>
    %dma_start3A_220 = arith.constant 0 : i32
    %dma_start3A_221 = arith.constant 0 : i32
    %dma_start3A_222 = tpu.memref_slice %arg9[%dma_start3A_211, %dma_start3A_220, %dma_start3A_221] : memref<2x416x32xf32, #tpu.memory_space<vmem>> -> memref<1x416x32xf32, #tpu.memory_space<vmem>>
    %dma_start3A_223 = tpu.memref_squeeze %dma_start3A_222 : memref<1x416x32xf32, #tpu.memory_space<vmem>> -> memref<416x32xf32, #tpu.memory_space<vmem>>
    tpu.enqueue_dma source(%dma_start3A_223 : memref<416x32xf32, #tpu.memory_space<vmem>>) target(%dma_start3A_219 : memref<416x32xf32, #tpu.memory_space<hbm>>) target_semaphore(%arg18 : memref<!tpu.dma_semaphore, #tpu.memory_space<semaphore_mem>>)
    %dma_wait3A_224 = arith.constant 1 : i32
    %dma_wait3A_225 = arith.constant 0 : i32
    %dma_wait3A_226 = arith.constant 0 : i32
    %dma_wait3A_227 = tpu.memref_slice %arg9[%dma_wait3A_224, %dma_wait3A_225, %dma_wait3A_226] : memref<2x416x32xf32, #tpu.memory_space<vmem>> -> memref<1x416x32xf32, #tpu.memory_space<vmem>>
    %dma_wait3A_228 = tpu.memref_squeeze %dma_wait3A_227 : memref<1x416x32xf32, #tpu.memory_space<vmem>> -> memref<416x32xf32, #tpu.memory_space<vmem>>
    %dma_wait3A_229 = arith.constant 0 : i32
    %dma_wait3A_230 = arith.constant 0 : i32
    %dma_wait3A_231 = tpu.memref_slice %arg2[%dma_wait3A_229, %dma_wait3A_230] : memref<26026x32xf32, #tpu.memory_space<hbm>> -> memref<416x32xf32, #tpu.memory_space<hbm>>
    %dma_wait3A_232 = arith.constant 0 : i32
    %dma_wait3A_233 = arith.constant 0 : i32
    %dma_wait3A_234 = tpu.memref_slice %arg9[%dma_wait3A_224, %dma_wait3A_232, %dma_wait3A_233] : memref<2x416x32xf32, #tpu.memory_space<vmem>> -> memref<1x416x32xf32, #tpu.memory_space<vmem>>
    %dma_wait3A_235 = tpu.memref_squeeze %dma_wait3A_234 : memref<1x416x32xf32, #tpu.memory_space<vmem>> -> memref<416x32xf32, #tpu.memory_space<vmem>>
    %dma_wait3A_236 = arith.constant 0 : i32
    %dma_wait3A_237 = arith.constant 0 : i32
    %dma_wait3A_238 = tpu.memref_slice %arg2[%dma_wait3A_236, %dma_wait3A_237] : memref<26026x32xf32, #tpu.memory_space<hbm>> -> memref<416x32xf32, #tpu.memory_space<hbm>>
    tpu.wait_dma2 semaphore(%arg18 : memref<!tpu.dma_semaphore, #tpu.memory_space<semaphore_mem>>) src(%dma_wait3A_238 : memref<416x32xf32, #tpu.memory_space<hbm>>) dst(%dma_wait3A_235 : memref<416x32xf32, #tpu.memory_space<vmem>>)
    %dma_start3A_239 = arith.constant 1 : i32
    %dma_start3A_240 = arith.constant 0 : i32
    %dma_start3A_241 = arith.constant 0 : i32
    %dma_start3A_242 = tpu.memref_slice %arg9[%dma_start3A_239, %dma_start3A_240, %dma_start3A_241] : memref<2x416x32xf32, #tpu.memory_space<vmem>> -> memref<1x416x32xf32, #tpu.memory_space<vmem>>
    %dma_start3A_243 = tpu.memref_squeeze %dma_start3A_242 : memref<1x416x32xf32, #tpu.memory_space<vmem>> -> memref<416x32xf32, #tpu.memory_space<vmem>>
    %dma_start3A_244 = arith.constant 2080 : i32
    %dma_start3A_245 = tpu.memref_slice %arg8[%dma_start3A_244] : memref<3328xi32, #tpu.memory_space<vmem>> -> memref<416xi32, #tpu.memory_space<vmem>>
    %dma_start3A_246 = arith.constant 0 : i32
    %dma_start3A_247 = arith.constant 0 : i32
    %dma_start3A_248 = tpu.memref_slice %arg2[%dma_start3A_246, %dma_start3A_247] : memref<26026x32xf32, #tpu.memory_space<hbm>> -> memref<26026x32xf32, #tpu.memory_space<hbm>>
    tpu.enqueue_indirect_dma source(%dma_start3A_248 : memref<26026x32xf32, #tpu.memory_space<hbm>>) target(%dma_start3A_243 : memref<416x32xf32, #tpu.memory_space<vmem>>) offsets(%dma_start3A_245 : memref<416xi32, #tpu.memory_space<vmem>>) semaphore(%arg16 : memref<!tpu.dma_semaphore, #tpu.memory_space<semaphore_mem>>)
    %dma_wait3A_249 = arith.constant 0 : i32
    %dma_wait3A_250 = arith.constant 0 : i32
    %dma_wait3A_251 = arith.constant 0 : i32
    %dma_wait3A_252 = tpu.memref_slice %arg9[%dma_wait3A_249, %dma_wait3A_250, %dma_wait3A_251] : memref<2x416x32xf32, #tpu.memory_space<vmem>> -> memref<1x416x32xf32, #tpu.memory_space<vmem>>
    %dma_wait3A_253 = tpu.memref_squeeze %dma_wait3A_252 : memref<1x416x32xf32, #tpu.memory_space<vmem>> -> memref<416x32xf32, #tpu.memory_space<vmem>>
    %dma_wait3A_254 = arith.constant 0 : i32
    %dma_wait3A_255 = arith.constant 0 : i32
    %dma_wait3A_256 = tpu.memref_slice %arg2[%dma_wait3A_254, %dma_wait3A_255] : memref<26026x32xf32, #tpu.memory_space<hbm>> -> memref<416x32xf32, #tpu.memory_space<hbm>>
    %dma_wait3A_257 = arith.constant 0 : i32
    %dma_wait3A_258 = arith.constant 0 : i32
    %dma_wait3A_259 = tpu.memref_slice %arg9[%dma_wait3A_249, %dma_wait3A_257, %dma_wait3A_258] : memref<2x416x32xf32, #tpu.memory_space<vmem>> -> memref<1x416x32xf32, #tpu.memory_space<vmem>>
    %dma_wait3A_260 = tpu.memref_squeeze %dma_wait3A_259 : memref<1x416x32xf32, #tpu.memory_space<vmem>> -> memref<416x32xf32, #tpu.memory_space<vmem>>
    %dma_wait3A_261 = arith.constant 0 : i32
    %dma_wait3A_262 = arith.constant 0 : i32
    %dma_wait3A_263 = tpu.memref_slice %arg2[%dma_wait3A_261, %dma_wait3A_262] : memref<26026x32xf32, #tpu.memory_space<hbm>> -> memref<416x32xf32, #tpu.memory_space<hbm>>
    tpu.wait_dma2 semaphore(%arg15 : memref<!tpu.dma_semaphore, #tpu.memory_space<semaphore_mem>>) src(%dma_wait3A_263 : memref<416x32xf32, #tpu.memory_space<hbm>>) dst(%dma_wait3A_260 : memref<416x32xf32, #tpu.memory_space<vmem>>)
    %mul3A_264 = arith.constant 3328 : i32
    %mul3A_265 = arith.muli %add3A, %mul3A_264 : i32
    %add3A_266 = arith.constant 1664 : i32
    %add3A_267 = arith.addi %mul3A_265, %add3A_266 : i32
    %dma_start3A_268 = arith.constant 0 : i32
    %dma_start3A_269 = arith.constant 0 : i32
    %dma_start3A_270 = arith.constant 0 : i32
    %dma_start3A_271 = tpu.memref_slice %arg9[%dma_start3A_268, %dma_start3A_269, %dma_start3A_270] : memref<2x416x32xf32, #tpu.memory_space<vmem>> -> memref<1x416x32xf32, #tpu.memory_space<vmem>>
    %dma_start3A_272 = tpu.memref_squeeze %dma_start3A_271 : memref<1x416x32xf32, #tpu.memory_space<vmem>> -> memref<416x32xf32, #tpu.memory_space<vmem>>
    %dma_start3A_273 = arith.constant 0 : i32
    %dma_start3A_274 = tpu.memref_slice %arg6[%add3A_267, %dma_start3A_273] : memref<106496x32xf32, #tpu.memory_space<hbm>> -> memref<416x32xf32, #tpu.memory_space<hbm>>
    %dma_start3A_275 = arith.constant 0 : i32
    %dma_start3A_276 = tpu.memref_slice %arg6[%add3A_267, %dma_start3A_275] : memref<106496x32xf32, #tpu.memory_space<hbm>> -> memref<416x32xf32, #tpu.memory_space<hbm>>
    %dma_start3A_277 = arith.constant 0 : i32
    %dma_start3A_278 = arith.constant 0 : i32
    %dma_start3A_279 = tpu.memref_slice %arg9[%dma_start3A_268, %dma_start3A_277, %dma_start3A_278] : memref<2x416x32xf32, #tpu.memory_space<vmem>> -> memref<1x416x32xf32, #tpu.memory_space<vmem>>
    %dma_start3A_280 = tpu.memref_squeeze %dma_start3A_279 : memref<1x416x32xf32, #tpu.memory_space<vmem>> -> memref<416x32xf32, #tpu.memory_space<vmem>>
    tpu.enqueue_dma source(%dma_start3A_280 : memref<416x32xf32, #tpu.memory_space<vmem>>) target(%dma_start3A_276 : memref<416x32xf32, #tpu.memory_space<hbm>>) target_semaphore(%arg17 : memref<!tpu.dma_semaphore, #tpu.memory_space<semaphore_mem>>)
    %dma_wait3A_281 = arith.constant 0 : i32
    %dma_wait3A_282 = arith.constant 0 : i32
    %dma_wait3A_283 = arith.constant 0 : i32
    %dma_wait3A_284 = tpu.memref_slice %arg9[%dma_wait3A_281, %dma_wait3A_282, %dma_wait3A_283] : memref<2x416x32xf32, #tpu.memory_space<vmem>> -> memref<1x416x32xf32, #tpu.memory_space<vmem>>
    %dma_wait3A_285 = tpu.memref_squeeze %dma_wait3A_284 : memref<1x416x32xf32, #tpu.memory_space<vmem>> -> memref<416x32xf32, #tpu.memory_space<vmem>>
    %dma_wait3A_286 = arith.constant 0 : i32
    %dma_wait3A_287 = arith.constant 0 : i32
    %dma_wait3A_288 = tpu.memref_slice %arg2[%dma_wait3A_286, %dma_wait3A_287] : memref<26026x32xf32, #tpu.memory_space<hbm>> -> memref<416x32xf32, #tpu.memory_space<hbm>>
    %dma_wait3A_289 = arith.constant 0 : i32
    %dma_wait3A_290 = arith.constant 0 : i32
    %dma_wait3A_291 = tpu.memref_slice %arg9[%dma_wait3A_281, %dma_wait3A_289, %dma_wait3A_290] : memref<2x416x32xf32, #tpu.memory_space<vmem>> -> memref<1x416x32xf32, #tpu.memory_space<vmem>>
    %dma_wait3A_292 = tpu.memref_squeeze %dma_wait3A_291 : memref<1x416x32xf32, #tpu.memory_space<vmem>> -> memref<416x32xf32, #tpu.memory_space<vmem>>
    %dma_wait3A_293 = arith.constant 0 : i32
    %dma_wait3A_294 = arith.constant 0 : i32
    %dma_wait3A_295 = tpu.memref_slice %arg2[%dma_wait3A_293, %dma_wait3A_294] : memref<26026x32xf32, #tpu.memory_space<hbm>> -> memref<416x32xf32, #tpu.memory_space<hbm>>
    tpu.wait_dma2 semaphore(%arg17 : memref<!tpu.dma_semaphore, #tpu.memory_space<semaphore_mem>>) src(%dma_wait3A_295 : memref<416x32xf32, #tpu.memory_space<hbm>>) dst(%dma_wait3A_292 : memref<416x32xf32, #tpu.memory_space<vmem>>)
    %dma_start3A_296 = arith.constant 0 : i32
    %dma_start3A_297 = arith.constant 0 : i32
    %dma_start3A_298 = arith.constant 0 : i32
    %dma_start3A_299 = tpu.memref_slice %arg9[%dma_start3A_296, %dma_start3A_297, %dma_start3A_298] : memref<2x416x32xf32, #tpu.memory_space<vmem>> -> memref<1x416x32xf32, #tpu.memory_space<vmem>>
    %dma_start3A_300 = tpu.memref_squeeze %dma_start3A_299 : memref<1x416x32xf32, #tpu.memory_space<vmem>> -> memref<416x32xf32, #tpu.memory_space<vmem>>
    %dma_start3A_301 = arith.constant 2496 : i32
    %dma_start3A_302 = tpu.memref_slice %arg8[%dma_start3A_301] : memref<3328xi32, #tpu.memory_space<vmem>> -> memref<416xi32, #tpu.memory_space<vmem>>
    %dma_start3A_303 = arith.constant 0 : i32
    %dma_start3A_304 = arith.constant 0 : i32
    %dma_start3A_305 = tpu.memref_slice %arg2[%dma_start3A_303, %dma_start3A_304] : memref<26026x32xf32, #tpu.memory_space<hbm>> -> memref<26026x32xf32, #tpu.memory_space<hbm>>
    tpu.enqueue_indirect_dma source(%dma_start3A_305 : memref<26026x32xf32, #tpu.memory_space<hbm>>) target(%dma_start3A_300 : memref<416x32xf32, #tpu.memory_space<vmem>>) offsets(%dma_start3A_302 : memref<416xi32, #tpu.memory_space<vmem>>) semaphore(%arg15 : memref<!tpu.dma_semaphore, #tpu.memory_space<semaphore_mem>>)
    %dma_wait3A_306 = arith.constant 1 : i32
    %dma_wait3A_307 = arith.constant 0 : i32
    %dma_wait3A_308 = arith.constant 0 : i32
    %dma_wait3A_309 = tpu.memref_slice %arg9[%dma_wait3A_306, %dma_wait3A_307, %dma_wait3A_308] : memref<2x416x32xf32, #tpu.memory_space<vmem>> -> memref<1x416x32xf32, #tpu.memory_space<vmem>>
    %dma_wait3A_310 = tpu.memref_squeeze %dma_wait3A_309 : memref<1x416x32xf32, #tpu.memory_space<vmem>> -> memref<416x32xf32, #tpu.memory_space<vmem>>
    %dma_wait3A_311 = arith.constant 0 : i32
    %dma_wait3A_312 = arith.constant 0 : i32
    %dma_wait3A_313 = tpu.memref_slice %arg2[%dma_wait3A_311, %dma_wait3A_312] : memref<26026x32xf32, #tpu.memory_space<hbm>> -> memref<416x32xf32, #tpu.memory_space<hbm>>
    %dma_wait3A_314 = arith.constant 0 : i32
    %dma_wait3A_315 = arith.constant 0 : i32
    %dma_wait3A_316 = tpu.memref_slice %arg9[%dma_wait3A_306, %dma_wait3A_314, %dma_wait3A_315] : memref<2x416x32xf32, #tpu.memory_space<vmem>> -> memref<1x416x32xf32, #tpu.memory_space<vmem>>
    %dma_wait3A_317 = tpu.memref_squeeze %dma_wait3A_316 : memref<1x416x32xf32, #tpu.memory_space<vmem>> -> memref<416x32xf32, #tpu.memory_space<vmem>>
    %dma_wait3A_318 = arith.constant 0 : i32
    %dma_wait3A_319 = arith.constant 0 : i32
    %dma_wait3A_320 = tpu.memref_slice %arg2[%dma_wait3A_318, %dma_wait3A_319] : memref<26026x32xf32, #tpu.memory_space<hbm>> -> memref<416x32xf32, #tpu.memory_space<hbm>>
    tpu.wait_dma2 semaphore(%arg16 : memref<!tpu.dma_semaphore, #tpu.memory_space<semaphore_mem>>) src(%dma_wait3A_320 : memref<416x32xf32, #tpu.memory_space<hbm>>) dst(%dma_wait3A_317 : memref<416x32xf32, #tpu.memory_space<vmem>>)
    %mul3A_321 = arith.constant 3328 : i32
    %mul3A_322 = arith.muli %add3A, %mul3A_321 : i32
    %add3A_323 = arith.constant 2080 : i32
    %add3A_324 = arith.addi %mul3A_322, %add3A_323 : i32
    %dma_start3A_325 = arith.constant 1 : i32
    %dma_start3A_326 = arith.constant 0 : i32
    %dma_start3A_327 = arith.constant 0 : i32
    %dma_start3A_328 = tpu.memref_slice %arg9[%dma_start3A_325, %dma_start3A_326, %dma_start3A_327] : memref<2x416x32xf32, #tpu.memory_space<vmem>> -> memref<1x416x32xf32, #tpu.memory_space<vmem>>
    %dma_start3A_329 = tpu.memref_squeeze %dma_start3A_328 : memref<1x416x32xf32, #tpu.memory_space<vmem>> -> memref<416x32xf32, #tpu.memory_space<vmem>>
    %dma_start3A_330 = arith.constant 0 : i32
    %dma_start3A_331 = tpu.memref_slice %arg6[%add3A_324, %dma_start3A_330] : memref<106496x32xf32, #tpu.memory_space<hbm>> -> memref<416x32xf32, #tpu.memory_space<hbm>>
    %dma_start3A_332 = arith.constant 0 : i32
    %dma_start3A_333 = tpu.memref_slice %arg6[%add3A_324, %dma_start3A_332] : memref<106496x32xf32, #tpu.memory_space<hbm>> -> memref<416x32xf32, #tpu.memory_space<hbm>>
    %dma_start3A_334 = arith.constant 0 : i32
    %dma_start3A_335 = arith.constant 0 : i32
    %dma_start3A_336 = tpu.memref_slice %arg9[%dma_start3A_325, %dma_start3A_334, %dma_start3A_335] : memref<2x416x32xf32, #tpu.memory_space<vmem>> -> memref<1x416x32xf32, #tpu.memory_space<vmem>>
    %dma_start3A_337 = tpu.memref_squeeze %dma_start3A_336 : memref<1x416x32xf32, #tpu.memory_space<vmem>> -> memref<416x32xf32, #tpu.memory_space<vmem>>
    tpu.enqueue_dma source(%dma_start3A_337 : memref<416x32xf32, #tpu.memory_space<vmem>>) target(%dma_start3A_333 : memref<416x32xf32, #tpu.memory_space<hbm>>) target_semaphore(%arg18 : memref<!tpu.dma_semaphore, #tpu.memory_space<semaphore_mem>>)
    %dma_wait3A_338 = arith.constant 1 : i32
    %dma_wait3A_339 = arith.constant 0 : i32
    %dma_wait3A_340 = arith.constant 0 : i32
    %dma_wait3A_341 = tpu.memref_slice %arg9[%dma_wait3A_338, %dma_wait3A_339, %dma_wait3A_340] : memref<2x416x32xf32, #tpu.memory_space<vmem>> -> memref<1x416x32xf32, #tpu.memory_space<vmem>>
    %dma_wait3A_342 = tpu.memref_squeeze %dma_wait3A_341 : memref<1x416x32xf32, #tpu.memory_space<vmem>> -> memref<416x32xf32, #tpu.memory_space<vmem>>
    %dma_wait3A_343 = arith.constant 0 : i32
    %dma_wait3A_344 = arith.constant 0 : i32
    %dma_wait3A_345 = tpu.memref_slice %arg2[%dma_wait3A_343, %dma_wait3A_344] : memref<26026x32xf32, #tpu.memory_space<hbm>> -> memref<416x32xf32, #tpu.memory_space<hbm>>
    %dma_wait3A_346 = arith.constant 0 : i32
    %dma_wait3A_347 = arith.constant 0 : i32
    %dma_wait3A_348 = tpu.memref_slice %arg9[%dma_wait3A_338, %dma_wait3A_346, %dma_wait3A_347] : memref<2x416x32xf32, #tpu.memory_space<vmem>> -> memref<1x416x32xf32, #tpu.memory_space<vmem>>
    %dma_wait3A_349 = tpu.memref_squeeze %dma_wait3A_348 : memref<1x416x32xf32, #tpu.memory_space<vmem>> -> memref<416x32xf32, #tpu.memory_space<vmem>>
    %dma_wait3A_350 = arith.constant 0 : i32
    %dma_wait3A_351 = arith.constant 0 : i32
    %dma_wait3A_352 = tpu.memref_slice %arg2[%dma_wait3A_350, %dma_wait3A_351] : memref<26026x32xf32, #tpu.memory_space<hbm>> -> memref<416x32xf32, #tpu.memory_space<hbm>>
    tpu.wait_dma2 semaphore(%arg18 : memref<!tpu.dma_semaphore, #tpu.memory_space<semaphore_mem>>) src(%dma_wait3A_352 : memref<416x32xf32, #tpu.memory_space<hbm>>) dst(%dma_wait3A_349 : memref<416x32xf32, #tpu.memory_space<vmem>>)
    %dma_start3A_353 = arith.constant 1 : i32
    %dma_start3A_354 = arith.constant 0 : i32
    %dma_start3A_355 = arith.constant 0 : i32
    %dma_start3A_356 = tpu.memref_slice %arg9[%dma_start3A_353, %dma_start3A_354, %dma_start3A_355] : memref<2x416x32xf32, #tpu.memory_space<vmem>> -> memref<1x416x32xf32, #tpu.memory_space<vmem>>
    %dma_start3A_357 = tpu.memref_squeeze %dma_start3A_356 : memref<1x416x32xf32, #tpu.memory_space<vmem>> -> memref<416x32xf32, #tpu.memory_space<vmem>>
    %dma_start3A_358 = arith.constant 2912 : i32
    %dma_start3A_359 = tpu.memref_slice %arg8[%dma_start3A_358] : memref<3328xi32, #tpu.memory_space<vmem>> -> memref<416xi32, #tpu.memory_space<vmem>>
    %dma_start3A_360 = arith.constant 0 : i32
    %dma_start3A_361 = arith.constant 0 : i32
    %dma_start3A_362 = tpu.memref_slice %arg2[%dma_start3A_360, %dma_start3A_361] : memref<26026x32xf32, #tpu.memory_space<hbm>> -> memref<26026x32xf32, #tpu.memory_space<hbm>>
    tpu.enqueue_indirect_dma source(%dma_start3A_362 : memref<26026x32xf32, #tpu.memory_space<hbm>>) target(%dma_start3A_357 : memref<416x32xf32, #tpu.memory_space<vmem>>) offsets(%dma_start3A_359 : memref<416xi32, #tpu.memory_space<vmem>>) semaphore(%arg16 : memref<!tpu.dma_semaphore, #tpu.memory_space<semaphore_mem>>)
    %dma_wait3A_363 = arith.constant 0 : i32
    %dma_wait3A_364 = arith.constant 0 : i32
    %dma_wait3A_365 = arith.constant 0 : i32
    %dma_wait3A_366 = tpu.memref_slice %arg9[%dma_wait3A_363, %dma_wait3A_364, %dma_wait3A_365] : memref<2x416x32xf32, #tpu.memory_space<vmem>> -> memref<1x416x32xf32, #tpu.memory_space<vmem>>
    %dma_wait3A_367 = tpu.memref_squeeze %dma_wait3A_366 : memref<1x416x32xf32, #tpu.memory_space<vmem>> -> memref<416x32xf32, #tpu.memory_space<vmem>>
    %dma_wait3A_368 = arith.constant 0 : i32
    %dma_wait3A_369 = arith.constant 0 : i32
    %dma_wait3A_370 = tpu.memref_slice %arg2[%dma_wait3A_368, %dma_wait3A_369] : memref<26026x32xf32, #tpu.memory_space<hbm>> -> memref<416x32xf32, #tpu.memory_space<hbm>>
    %dma_wait3A_371 = arith.constant 0 : i32
    %dma_wait3A_372 = arith.constant 0 : i32
    %dma_wait3A_373 = tpu.memref_slice %arg9[%dma_wait3A_363, %dma_wait3A_371, %dma_wait3A_372] : memref<2x416x32xf32, #tpu.memory_space<vmem>> -> memref<1x416x32xf32, #tpu.memory_space<vmem>>
    %dma_wait3A_374 = tpu.memref_squeeze %dma_wait3A_373 : memref<1x416x32xf32, #tpu.memory_space<vmem>> -> memref<416x32xf32, #tpu.memory_space<vmem>>
    %dma_wait3A_375 = arith.constant 0 : i32
    %dma_wait3A_376 = arith.constant 0 : i32
    %dma_wait3A_377 = tpu.memref_slice %arg2[%dma_wait3A_375, %dma_wait3A_376] : memref<26026x32xf32, #tpu.memory_space<hbm>> -> memref<416x32xf32, #tpu.memory_space<hbm>>
    tpu.wait_dma2 semaphore(%arg15 : memref<!tpu.dma_semaphore, #tpu.memory_space<semaphore_mem>>) src(%dma_wait3A_377 : memref<416x32xf32, #tpu.memory_space<hbm>>) dst(%dma_wait3A_374 : memref<416x32xf32, #tpu.memory_space<vmem>>)
    %mul3A_378 = arith.constant 3328 : i32
    %mul3A_379 = arith.muli %add3A, %mul3A_378 : i32
    %add3A_380 = arith.constant 2496 : i32
    %add3A_381 = arith.addi %mul3A_379, %add3A_380 : i32
    %dma_start3A_382 = arith.constant 0 : i32
    %dma_start3A_383 = arith.constant 0 : i32
    %dma_start3A_384 = arith.constant 0 : i32
    %dma_start3A_385 = tpu.memref_slice %arg9[%dma_start3A_382, %dma_start3A_383, %dma_start3A_384] : memref<2x416x32xf32, #tpu.memory_space<vmem>> -> memref<1x416x32xf32, #tpu.memory_space<vmem>>
    %dma_start3A_386 = tpu.memref_squeeze %dma_start3A_385 : memref<1x416x32xf32, #tpu.memory_space<vmem>> -> memref<416x32xf32, #tpu.memory_space<vmem>>
    %dma_start3A_387 = arith.constant 0 : i32
    %dma_start3A_388 = tpu.memref_slice %arg6[%add3A_381, %dma_start3A_387] : memref<106496x32xf32, #tpu.memory_space<hbm>> -> memref<416x32xf32, #tpu.memory_space<hbm>>
    %dma_start3A_389 = arith.constant 0 : i32
    %dma_start3A_390 = tpu.memref_slice %arg6[%add3A_381, %dma_start3A_389] : memref<106496x32xf32, #tpu.memory_space<hbm>> -> memref<416x32xf32, #tpu.memory_space<hbm>>
    %dma_start3A_391 = arith.constant 0 : i32
    %dma_start3A_392 = arith.constant 0 : i32
    %dma_start3A_393 = tpu.memref_slice %arg9[%dma_start3A_382, %dma_start3A_391, %dma_start3A_392] : memref<2x416x32xf32, #tpu.memory_space<vmem>> -> memref<1x416x32xf32, #tpu.memory_space<vmem>>
    %dma_start3A_394 = tpu.memref_squeeze %dma_start3A_393 : memref<1x416x32xf32, #tpu.memory_space<vmem>> -> memref<416x32xf32, #tpu.memory_space<vmem>>
    tpu.enqueue_dma source(%dma_start3A_394 : memref<416x32xf32, #tpu.memory_space<vmem>>) target(%dma_start3A_390 : memref<416x32xf32, #tpu.memory_space<hbm>>) target_semaphore(%arg17 : memref<!tpu.dma_semaphore, #tpu.memory_space<semaphore_mem>>)
    %dma_wait3A_395 = arith.constant 1 : i32
    %dma_wait3A_396 = arith.constant 0 : i32
    %dma_wait3A_397 = arith.constant 0 : i32
    %dma_wait3A_398 = tpu.memref_slice %arg9[%dma_wait3A_395, %dma_wait3A_396, %dma_wait3A_397] : memref<2x416x32xf32, #tpu.memory_space<vmem>> -> memref<1x416x32xf32, #tpu.memory_space<vmem>>
    %dma_wait3A_399 = tpu.memref_squeeze %dma_wait3A_398 : memref<1x416x32xf32, #tpu.memory_space<vmem>> -> memref<416x32xf32, #tpu.memory_space<vmem>>
    %dma_wait3A_400 = arith.constant 0 : i32
    %dma_wait3A_401 = arith.constant 0 : i32
    %dma_wait3A_402 = tpu.memref_slice %arg2[%dma_wait3A_400, %dma_wait3A_401] : memref<26026x32xf32, #tpu.memory_space<hbm>> -> memref<416x32xf32, #tpu.memory_space<hbm>>
    %dma_wait3A_403 = arith.constant 0 : i32
    %dma_wait3A_404 = arith.constant 0 : i32
    %dma_wait3A_405 = tpu.memref_slice %arg9[%dma_wait3A_395, %dma_wait3A_403, %dma_wait3A_404] : memref<2x416x32xf32, #tpu.memory_space<vmem>> -> memref<1x416x32xf32, #tpu.memory_space<vmem>>
    %dma_wait3A_406 = tpu.memref_squeeze %dma_wait3A_405 : memref<1x416x32xf32, #tpu.memory_space<vmem>> -> memref<416x32xf32, #tpu.memory_space<vmem>>
    %dma_wait3A_407 = arith.constant 0 : i32
    %dma_wait3A_408 = arith.constant 0 : i32
    %dma_wait3A_409 = tpu.memref_slice %arg2[%dma_wait3A_407, %dma_wait3A_408] : memref<26026x32xf32, #tpu.memory_space<hbm>> -> memref<416x32xf32, #tpu.memory_space<hbm>>
    tpu.wait_dma2 semaphore(%arg16 : memref<!tpu.dma_semaphore, #tpu.memory_space<semaphore_mem>>) src(%dma_wait3A_409 : memref<416x32xf32, #tpu.memory_space<hbm>>) dst(%dma_wait3A_406 : memref<416x32xf32, #tpu.memory_space<vmem>>)
    %mul3A_410 = arith.constant 3328 : i32
    %mul3A_411 = arith.muli %add3A, %mul3A_410 : i32
    %add3A_412 = arith.constant 2912 : i32
    %add3A_413 = arith.addi %mul3A_411, %add3A_412 : i32
    %dma_start3A_414 = arith.constant 1 : i32
    %dma_start3A_415 = arith.constant 0 : i32
    %dma_start3A_416 = arith.constant 0 : i32
    %dma_start3A_417 = tpu.memref_slice %arg9[%dma_start3A_414, %dma_start3A_415, %dma_start3A_416] : memref<2x416x32xf32, #tpu.memory_space<vmem>> -> memref<1x416x32xf32, #tpu.memory_space<vmem>>
    %dma_start3A_418 = tpu.memref_squeeze %dma_start3A_417 : memref<1x416x32xf32, #tpu.memory_space<vmem>> -> memref<416x32xf32, #tpu.memory_space<vmem>>
    %dma_start3A_419 = arith.constant 0 : i32
    %dma_start3A_420 = tpu.memref_slice %arg6[%add3A_413, %dma_start3A_419] : memref<106496x32xf32, #tpu.memory_space<hbm>> -> memref<416x32xf32, #tpu.memory_space<hbm>>
    %dma_start3A_421 = arith.constant 0 : i32
    %dma_start3A_422 = tpu.memref_slice %arg6[%add3A_413, %dma_start3A_421] : memref<106496x32xf32, #tpu.memory_space<hbm>> -> memref<416x32xf32, #tpu.memory_space<hbm>>
    %dma_start3A_423 = arith.constant 0 : i32
    %dma_start3A_424 = arith.constant 0 : i32
    %dma_start3A_425 = tpu.memref_slice %arg9[%dma_start3A_414, %dma_start3A_423, %dma_start3A_424] : memref<2x416x32xf32, #tpu.memory_space<vmem>> -> memref<1x416x32xf32, #tpu.memory_space<vmem>>
    %dma_start3A_426 = tpu.memref_squeeze %dma_start3A_425 : memref<1x416x32xf32, #tpu.memory_space<vmem>> -> memref<416x32xf32, #tpu.memory_space<vmem>>
    tpu.enqueue_dma source(%dma_start3A_426 : memref<416x32xf32, #tpu.memory_space<vmem>>) target(%dma_start3A_422 : memref<416x32xf32, #tpu.memory_space<hbm>>) target_semaphore(%arg18 : memref<!tpu.dma_semaphore, #tpu.memory_space<semaphore_mem>>)
    %dma_wait3A_427 = arith.constant 0 : i32
    %dma_wait3A_428 = arith.constant 0 : i32
    %dma_wait3A_429 = arith.constant 0 : i32
    %dma_wait3A_430 = tpu.memref_slice %arg9[%dma_wait3A_427, %dma_wait3A_428, %dma_wait3A_429] : memref<2x416x32xf32, #tpu.memory_space<vmem>> -> memref<1x416x32xf32, #tpu.memory_space<vmem>>
    %dma_wait3A_431 = tpu.memref_squeeze %dma_wait3A_430 : memref<1x416x32xf32, #tpu.memory_space<vmem>> -> memref<416x32xf32, #tpu.memory_space<vmem>>
    %dma_wait3A_432 = arith.constant 0 : i32
    %dma_wait3A_433 = arith.constant 0 : i32
    %dma_wait3A_434 = tpu.memref_slice %arg2[%dma_wait3A_432, %dma_wait3A_433] : memref<26026x32xf32, #tpu.memory_space<hbm>> -> memref<416x32xf32, #tpu.memory_space<hbm>>
    %dma_wait3A_435 = arith.constant 0 : i32
    %dma_wait3A_436 = arith.constant 0 : i32
    %dma_wait3A_437 = tpu.memref_slice %arg9[%dma_wait3A_427, %dma_wait3A_435, %dma_wait3A_436] : memref<2x416x32xf32, #tpu.memory_space<vmem>> -> memref<1x416x32xf32, #tpu.memory_space<vmem>>
    %dma_wait3A_438 = tpu.memref_squeeze %dma_wait3A_437 : memref<1x416x32xf32, #tpu.memory_space<vmem>> -> memref<416x32xf32, #tpu.memory_space<vmem>>
    %dma_wait3A_439 = arith.constant 0 : i32
    %dma_wait3A_440 = arith.constant 0 : i32
    %dma_wait3A_441 = tpu.memref_slice %arg2[%dma_wait3A_439, %dma_wait3A_440] : memref<26026x32xf32, #tpu.memory_space<hbm>> -> memref<416x32xf32, #tpu.memory_space<hbm>>
    tpu.wait_dma2 semaphore(%arg17 : memref<!tpu.dma_semaphore, #tpu.memory_space<semaphore_mem>>) src(%dma_wait3A_441 : memref<416x32xf32, #tpu.memory_space<hbm>>) dst(%dma_wait3A_438 : memref<416x32xf32, #tpu.memory_space<vmem>>)
    %dma_wait3A_442 = arith.constant 1 : i32
    %dma_wait3A_443 = arith.constant 0 : i32
    %dma_wait3A_444 = arith.constant 0 : i32
    %dma_wait3A_445 = tpu.memref_slice %arg9[%dma_wait3A_442, %dma_wait3A_443, %dma_wait3A_444] : memref<2x416x32xf32, #tpu.memory_space<vmem>> -> memref<1x416x32xf32, #tpu.memory_space<vmem>>
    %dma_wait3A_446 = tpu.memref_squeeze %dma_wait3A_445 : memref<1x416x32xf32, #tpu.memory_space<vmem>> -> memref<416x32xf32, #tpu.memory_space<vmem>>
    %dma_wait3A_447 = arith.constant 0 : i32
    %dma_wait3A_448 = arith.constant 0 : i32
    %dma_wait3A_449 = tpu.memref_slice %arg2[%dma_wait3A_447, %dma_wait3A_448] : memref<26026x32xf32, #tpu.memory_space<hbm>> -> memref<416x32xf32, #tpu.memory_space<hbm>>
    %dma_wait3A_450 = arith.constant 0 : i32
    %dma_wait3A_451 = arith.constant 0 : i32
    %dma_wait3A_452 = tpu.memref_slice %arg9[%dma_wait3A_442, %dma_wait3A_450, %dma_wait3A_451] : memref<2x416x32xf32, #tpu.memory_space<vmem>> -> memref<1x416x32xf32, #tpu.memory_space<vmem>>
    %dma_wait3A_453 = tpu.memref_squeeze %dma_wait3A_452 : memref<1x416x32xf32, #tpu.memory_space<vmem>> -> memref<416x32xf32, #tpu.memory_space<vmem>>
    %dma_wait3A_454 = arith.constant 0 : i32
    %dma_wait3A_455 = arith.constant 0 : i32
    %dma_wait3A_456 = tpu.memref_slice %arg2[%dma_wait3A_454, %dma_wait3A_455] : memref<26026x32xf32, #tpu.memory_space<hbm>> -> memref<416x32xf32, #tpu.memory_space<hbm>>
    tpu.wait_dma2 semaphore(%arg18 : memref<!tpu.dma_semaphore, #tpu.memory_space<semaphore_mem>>) src(%dma_wait3A_456 : memref<416x32xf32, #tpu.memory_space<hbm>>) dst(%dma_wait3A_453 : memref<416x32xf32, #tpu.memory_space<vmem>>)
    %mul3A_457 = arith.constant 128 : i32
    %mul3A_458 = arith.muli %add3A, %mul3A_457 : i32
    %mul3A_459 = arith.constant 200 : i32
    %mul3A_460 = arith.muli %mul3A_458, %mul3A_459 : i32
    "tpu.region"() ({
      %run_scoped3A = tpu.sem_alloc : memref<!tpu.dma_semaphore, #tpu.memory_space<semaphore_mem>>
      %dma_start3A_518 = tpu.memref_slice %arg5[%mul3A_460] : memref<819200xi32, #tpu.memory_space<hbm>> -> memref<25600xi32, #tpu.memory_space<hbm>>
      %dma_start3A_519 = tpu.memref_slice %arg5[%mul3A_460] : memref<819200xi32, #tpu.memory_space<hbm>> -> memref<25600xi32, #tpu.memory_space<hbm>>
      tpu.enqueue_dma source(%dma_start3A_519 : memref<25600xi32, #tpu.memory_space<hbm>>) target(%arg10 : memref<25600xi32, #tpu.memory_space<vmem>>) target_semaphore(%run_scoped3A : memref<!tpu.dma_semaphore, #tpu.memory_space<semaphore_mem>>)
      %dma_wait3A_520 = tpu.memref_slice %arg5[%mul3A_460] : memref<819200xi32, #tpu.memory_space<hbm>> -> memref<25600xi32, #tpu.memory_space<hbm>>
      %dma_wait3A_521 = tpu.memref_slice %arg5[%mul3A_460] : memref<819200xi32, #tpu.memory_space<hbm>> -> memref<25600xi32, #tpu.memory_space<hbm>>
      tpu.wait_dma2 semaphore(%run_scoped3A : memref<!tpu.dma_semaphore, #tpu.memory_space<semaphore_mem>>) src(%dma_wait3A_521 : memref<25600xi32, #tpu.memory_space<hbm>>) dst(%arg10 : memref<25600xi32, #tpu.memory_space<vmem>>)
      tpu.yield
    }) : () -> ()
    %dma_start3A_461 = arith.constant 0 : i32
    %dma_start3A_462 = arith.constant 0 : i32
    %dma_start3A_463 = arith.constant 0 : i32
    %dma_start3A_464 = tpu.memref_slice %arg11[%dma_start3A_461, %dma_start3A_462, %dma_start3A_463] : memref<2x800x32xf32, #tpu.memory_space<vmem>> -> memref<1x800x32xf32, #tpu.memory_space<vmem>>
    %dma_start3A_465 = tpu.memref_squeeze %dma_start3A_464 : memref<1x800x32xf32, #tpu.memory_space<vmem>> -> memref<800x32xf32, #tpu.memory_space<vmem>>
    %dma_start3A_466 = arith.constant 0 : i32
    %dma_start3A_467 = tpu.memref_slice %arg10[%dma_start3A_466] : memref<25600xi32, #tpu.memory_space<vmem>> -> memref<800xi32, #tpu.memory_space<vmem>>
    %dma_start3A_468 = arith.constant 0 : i32
    %dma_start3A_469 = arith.constant 0 : i32
    %dma_start3A_470 = tpu.memref_slice %arg4[%dma_start3A_468, %dma_start3A_469] : memref<1015808x32xf32, #tpu.memory_space<hbm>> -> memref<1015808x32xf32, #tpu.memory_space<hbm>>
    tpu.enqueue_indirect_dma source(%dma_start3A_470 : memref<1015808x32xf32, #tpu.memory_space<hbm>>) target(%dma_start3A_465 : memref<800x32xf32, #tpu.memory_space<vmem>>) offsets(%dma_start3A_467 : memref<800xi32, #tpu.memory_space<vmem>>) semaphore(%arg13 : memref<!tpu.dma_semaphore, #tpu.memory_space<semaphore_mem>>)
    %dma_start3A_471 = arith.constant 1 : i32
    %dma_start3A_472 = arith.constant 0 : i32
    %dma_start3A_473 = arith.constant 0 : i32
    %dma_start3A_474 = tpu.memref_slice %arg11[%dma_start3A_471, %dma_start3A_472, %dma_start3A_473] : memref<2x800x32xf32, #tpu.memory_space<vmem>> -> memref<1x800x32xf32, #tpu.memory_space<vmem>>
    %dma_start3A_475 = tpu.memref_squeeze %dma_start3A_474 : memref<1x800x32xf32, #tpu.memory_space<vmem>> -> memref<800x32xf32, #tpu.memory_space<vmem>>
    %dma_start3A_476 = arith.constant 800 : i32
    %dma_start3A_477 = tpu.memref_slice %arg10[%dma_start3A_476] : memref<25600xi32, #tpu.memory_space<vmem>> -> memref<800xi32, #tpu.memory_space<vmem>>
    %dma_start3A_478 = arith.constant 0 : i32
    %dma_start3A_479 = arith.constant 0 : i32
    %dma_start3A_480 = tpu.memref_slice %arg4[%dma_start3A_478, %dma_start3A_479] : memref<1015808x32xf32, #tpu.memory_space<hbm>> -> memref<1015808x32xf32, #tpu.memory_space<hbm>>
    tpu.enqueue_indirect_dma source(%dma_start3A_480 : memref<1015808x32xf32, #tpu.memory_space<hbm>>) target(%dma_start3A_475 : memref<800x32xf32, #tpu.memory_space<vmem>>) offsets(%dma_start3A_477 : memref<800xi32, #tpu.memory_space<vmem>>) semaphore(%arg14 : memref<!tpu.dma_semaphore, #tpu.memory_space<semaphore_mem>>)
    %scan3A = arith.constant 0 : i32
    %scan3A_481 = arith.constant 0 : i32
    %scan3A_482 = arith.constant 16 : i32
    %scan3A_483 = arith.addi %scan3A_481, %scan3A_482 : i32
    %scan3A_484 = arith.constant 1 : i32
    scf.for %scan3A_518 = %scan3A_481 to %scan3A_483 step %scan3A_484  : i32 {
      %mul3A_519 = arith.constant 2 : i32
      %mul3A_520 = arith.muli %scan3A_518, %mul3A_519 : i32
      %add3A_521 = arith.constant 0 : i32
      %add3A_522 = arith.addi %mul3A_520, %add3A_521 : i32
      %dma_wait3A_523 = arith.constant 0 : i32
      %dma_wait3A_524 = arith.constant 0 : i32
      %dma_wait3A_525 = arith.constant 0 : i32
      %dma_wait3A_526 = tpu.memref_slice %arg11[%dma_wait3A_523, %dma_wait3A_524, %dma_wait3A_525] : memref<2x800x32xf32, #tpu.memory_space<vmem>> -> memref<1x800x32xf32, #tpu.memory_space<vmem>>
      %dma_wait3A_527 = tpu.memref_squeeze %dma_wait3A_526 : memref<1x800x32xf32, #tpu.memory_space<vmem>> -> memref<800x32xf32, #tpu.memory_space<vmem>>
      %dma_wait3A_528 = arith.constant 0 : i32
      %dma_wait3A_529 = arith.constant 0 : i32
      %dma_wait3A_530 = tpu.memref_slice %arg4[%dma_wait3A_528, %dma_wait3A_529] : memref<1015808x32xf32, #tpu.memory_space<hbm>> -> memref<800x32xf32, #tpu.memory_space<hbm>>
      %dma_wait3A_531 = arith.constant 0 : i32
      %dma_wait3A_532 = arith.constant 0 : i32
      %dma_wait3A_533 = tpu.memref_slice %arg11[%dma_wait3A_523, %dma_wait3A_531, %dma_wait3A_532] : memref<2x800x32xf32, #tpu.memory_space<vmem>> -> memref<1x800x32xf32, #tpu.memory_space<vmem>>
      %dma_wait3A_534 = tpu.memref_squeeze %dma_wait3A_533 : memref<1x800x32xf32, #tpu.memory_space<vmem>> -> memref<800x32xf32, #tpu.memory_space<vmem>>
      %dma_wait3A_535 = arith.constant 0 : i32
      %dma_wait3A_536 = arith.constant 0 : i32
      %dma_wait3A_537 = tpu.memref_slice %arg4[%dma_wait3A_535, %dma_wait3A_536] : memref<1015808x32xf32, #tpu.memory_space<hbm>> -> memref<800x32xf32, #tpu.memory_space<hbm>>
      tpu.wait_dma2 semaphore(%arg13 : memref<!tpu.dma_semaphore, #tpu.memory_space<semaphore_mem>>) src(%dma_wait3A_537 : memref<800x32xf32, #tpu.memory_space<hbm>>) dst(%dma_wait3A_534 : memref<800x32xf32, #tpu.memory_space<vmem>>)
      %broadcast_in_dim3A = arith.constant 0.000000e+00 : f32
      %broadcast_in_dim3A_538 = vector.broadcast %broadcast_in_dim3A : f32 to vector<16xf32>
      %scan3A_539 = arith.constant 0 : i32
      %scan3A_540 = arith.constant 50 : i32
      %scan3A_541 = arith.addi %scan3A_539, %scan3A_540 : i32
      %scan3A_542 = arith.constant 1 : i32
      %scan3A_543:4 = scf.for %scan3A_776 = %scan3A_539 to %scan3A_541 step %scan3A_542 iter_args(%scan3A_777 = %broadcast_in_dim3A_538, %scan3A_778 = %broadcast_in_dim3A_538, %scan3A_779 = %broadcast_in_dim3A_538, %scan3A_780 = %broadcast_in_dim3A_538) -> (vector<16xf32>, vector<16xf32>, vector<16xf32>, vector<16xf32>)  : i32 {
        %mul3A_781 = arith.constant 4 : i32
        %mul3A_782 = arith.muli %scan3A_776, %mul3A_781 : i32
        %add3A_783 = arith.constant 0 : i32
        %add3A_784 = arith.addi %add3A_783, %mul3A_782 : i32
        %get3A = arith.constant 0 : i32
        %get3A_785 = arith.index_cast %get3A : i32 to index
        %get3A_786 = arith.index_cast %add3A_784 : i32 to index
        %get3A_787 = arith.constant 0 : index
        %get3A_788 = tpu.vector_load %arg11[%get3A_785, %get3A_786, %get3A_787] {strides = array<i32>} : memref<2x800x32xf32, #tpu.memory_space<vmem>>, vector<1x1x16xf32>,
        %get3A_789 = vector.shape_cast %get3A_788 : vector<1x1x16xf32> to vector<16xf32>
        %add3A_790 = arith.addf %scan3A_777, %get3A_789 : vector<16xf32>
        %get3A_791 = arith.constant 0 : i32
        %get3A_792 = arith.index_cast %get3A_791 : i32 to index
        %get3A_793 = arith.index_cast %add3A_784 : i32 to index
        %get3A_794 = arith.constant 16 : index
        %get3A_795 = tpu.vector_load %arg11[%get3A_792, %get3A_793, %get3A_794] {strides = array<i32>} : memref<2x800x32xf32, #tpu.memory_space<vmem>>, vector<1x1x16xf32>,
        %get3A_796 = vector.shape_cast %get3A_795 : vector<1x1x16xf32> to vector<16xf32>
        %add3A_797 = arith.addf %scan3A_778, %get3A_796 : vector<16xf32>
        %add3A_798 = arith.constant 1 : i32
        %add3A_799 = arith.addi %add3A_784, %add3A_798 : i32
        %get3A_800 = arith.constant 0 : i32
        %get3A_801 = arith.index_cast %get3A_800 : i32 to index
        %get3A_802 = arith.index_cast %add3A_799 : i32 to index
        %get3A_803 = arith.constant 0 : index
        %get3A_804 = tpu.vector_load %arg11[%get3A_801, %get3A_802, %get3A_803] {strides = array<i32>} : memref<2x800x32xf32, #tpu.memory_space<vmem>>, vector<1x1x16xf32>,
        %get3A_805 = vector.shape_cast %get3A_804 : vector<1x1x16xf32> to vector<16xf32>
        %add3A_806 = arith.addf %scan3A_779, %get3A_805 : vector<16xf32>
        %add3A_807 = arith.constant 1 : i32
        %add3A_808 = arith.addi %add3A_784, %add3A_807 : i32
        %get3A_809 = arith.constant 0 : i32
        %get3A_810 = arith.index_cast %get3A_809 : i32 to index
        %get3A_811 = arith.index_cast %add3A_808 : i32 to index
        %get3A_812 = arith.constant 16 : index
        %get3A_813 = tpu.vector_load %arg11[%get3A_810, %get3A_811, %get3A_812] {strides = array<i32>} : memref<2x800x32xf32, #tpu.memory_space<vmem>>, vector<1x1x16xf32>,
        %get3A_814 = vector.shape_cast %get3A_813 : vector<1x1x16xf32> to vector<16xf32>
        %add3A_815 = arith.addf %scan3A_780, %get3A_814 : vector<16xf32>
        %add3A_816 = arith.constant 2 : i32
        %add3A_817 = arith.addi %add3A_784, %add3A_816 : i32
        %get3A_818 = arith.constant 0 : i32
        %get3A_819 = arith.index_cast %get3A_818 : i32 to index
        %get3A_820 = arith.index_cast %add3A_817 : i32 to index
        %get3A_821 = arith.constant 0 : index
        %get3A_822 = tpu.vector_load %arg11[%get3A_819, %get3A_820, %get3A_821] {strides = array<i32>} : memref<2x800x32xf32, #tpu.memory_space<vmem>>, vector<1x1x16xf32>,
        %get3A_823 = vector.shape_cast %get3A_822 : vector<1x1x16xf32> to vector<16xf32>
        %add3A_824 = arith.addf %add3A_790, %get3A_823 : vector<16xf32>
        %add3A_825 = arith.constant 2 : i32
        %add3A_826 = arith.addi %add3A_784, %add3A_825 : i32
        %get3A_827 = arith.constant 0 : i32
        %get3A_828 = arith.index_cast %get3A_827 : i32 to index
        %get3A_829 = arith.index_cast %add3A_826 : i32 to index
        %get3A_830 = arith.constant 16 : index
        %get3A_831 = tpu.vector_load %arg11[%get3A_828, %get3A_829, %get3A_830] {strides = array<i32>} : memref<2x800x32xf32, #tpu.memory_space<vmem>>, vector<1x1x16xf32>,
        %get3A_832 = vector.shape_cast %get3A_831 : vector<1x1x16xf32> to vector<16xf32>
        %add3A_833 = arith.addf %add3A_797, %get3A_832 : vector<16xf32>
        %add3A_834 = arith.constant 3 : i32
        %add3A_835 = arith.addi %add3A_784, %add3A_834 : i32
        %get3A_836 = arith.constant 0 : i32
        %get3A_837 = arith.index_cast %get3A_836 : i32 to index
        %get3A_838 = arith.index_cast %add3A_835 : i32 to index
        %get3A_839 = arith.constant 0 : index
        %get3A_840 = tpu.vector_load %arg11[%get3A_837, %get3A_838, %get3A_839] {strides = array<i32>} : memref<2x800x32xf32, #tpu.memory_space<vmem>>, vector<1x1x16xf32>,
        %get3A_841 = vector.shape_cast %get3A_840 : vector<1x1x16xf32> to vector<16xf32>
        %add3A_842 = arith.addf %add3A_806, %get3A_841 : vector<16xf32>
        %add3A_843 = arith.constant 3 : i32
        %add3A_844 = arith.addi %add3A_784, %add3A_843 : i32
        %get3A_845 = arith.constant 0 : i32
        %get3A_846 = arith.index_cast %get3A_845 : i32 to index
        %get3A_847 = arith.index_cast %add3A_844 : i32 to index
        %get3A_848 = arith.constant 16 : index
        %get3A_849 = tpu.vector_load %arg11[%get3A_846, %get3A_847, %get3A_848] {strides = array<i32>} : memref<2x800x32xf32, #tpu.memory_space<vmem>>, vector<1x1x16xf32>,
        %get3A_850 = vector.shape_cast %get3A_849 : vector<1x1x16xf32> to vector<16xf32>
        %add3A_851 = arith.addf %add3A_815, %get3A_850 : vector<16xf32>
        scf.yield %add3A_824, %add3A_833, %add3A_842, %add3A_851 : vector<16xf32>, vector<16xf32>, vector<16xf32>, vector<16xf32>
      }
      %scan3A_544 = arith.constant 50 : i32
      %mul3A_545 = arith.constant 4 : i32
      %mul3A_546 = arith.muli %add3A_522, %mul3A_545 : i32
      %add3A_547 = arith.constant 0 : i32
      %add3A_548 = arith.addi %mul3A_546, %add3A_547 : i32
      %add3A_549 = arith.addf %scan3A_543#0, %scan3A_543#2 : vector<16xf32>
      %swap3A = arith.index_cast %add3A_548 : i32 to index
      %swap3A_550 = arith.constant 0 : index
      %swap3A_551 = tpu.vector_load %arg12[%swap3A, %swap3A_550] {strides = array<i32>} : memref<128x32xf32, #tpu.memory_space<vmem>>, vector<1x16xf32>,
      %swap3A_552 = vector.shape_cast %swap3A_551 : vector<1x16xf32> to vector<16xf32>
      %swap3A_553 = vector.shape_cast %add3A_549 : vector<16xf32> to vector<1x16xf32>
      tpu.vector_store %arg12[%swap3A, %swap3A_550], %swap3A_553 {strides = array<i32>} : memref<128x32xf32, #tpu.memory_space<vmem>>, vector<1x16xf32>,
      %add3A_554 = arith.addf %scan3A_543#1, %scan3A_543#3 : vector<16xf32>
      %swap3A_555 = arith.index_cast %add3A_548 : i32 to index
      %swap3A_556 = arith.constant 16 : index
      %swap3A_557 = tpu.vector_load %arg12[%swap3A_555, %swap3A_556] {strides = array<i32>} : memref<128x32xf32, #tpu.memory_space<vmem>>, vector<1x16xf32>,
      %swap3A_558 = vector.shape_cast %swap3A_557 : vector<1x16xf32> to vector<16xf32>
      %swap3A_559 = vector.shape_cast %add3A_554 : vector<16xf32> to vector<1x16xf32>
      tpu.vector_store %arg12[%swap3A_555, %swap3A_556], %swap3A_559 {strides = array<i32>} : memref<128x32xf32, #tpu.memory_space<vmem>>, vector<1x16xf32>,
      %broadcast_in_dim3A_560 = arith.constant 0.000000e+00 : f32
      %broadcast_in_dim3A_561 = vector.broadcast %broadcast_in_dim3A_560 : f32 to vector<16xf32>
      %scan3A_562 = arith.constant 0 : i32
      %scan3A_563 = arith.constant 50 : i32
      %scan3A_564 = arith.addi %scan3A_562, %scan3A_563 : i32
      %scan3A_565 = arith.constant 1 : i32
      %scan3A_566:4 = scf.for %scan3A_776 = %scan3A_562 to %scan3A_564 step %scan3A_565 iter_args(%scan3A_777 = %broadcast_in_dim3A_561, %scan3A_778 = %broadcast_in_dim3A_561, %scan3A_779 = %broadcast_in_dim3A_561, %scan3A_780 = %broadcast_in_dim3A_561) -> (vector<16xf32>, vector<16xf32>, vector<16xf32>, vector<16xf32>)  : i32 {
        %mul3A_781 = arith.constant 4 : i32
        %mul3A_782 = arith.muli %scan3A_776, %mul3A_781 : i32
        %add3A_783 = arith.constant 200 : i32
        %add3A_784 = arith.addi %add3A_783, %mul3A_782 : i32
        %get3A = arith.constant 0 : i32
        %get3A_785 = arith.index_cast %get3A : i32 to index
        %get3A_786 = arith.index_cast %add3A_784 : i32 to index
        %get3A_787 = arith.constant 0 : index
        %get3A_788 = tpu.vector_load %arg11[%get3A_785, %get3A_786, %get3A_787] {strides = array<i32>} : memref<2x800x32xf32, #tpu.memory_space<vmem>>, vector<1x1x16xf32>,
        %get3A_789 = vector.shape_cast %get3A_788 : vector<1x1x16xf32> to vector<16xf32>
        %add3A_790 = arith.addf %scan3A_777, %get3A_789 : vector<16xf32>
        %get3A_791 = arith.constant 0 : i32
        %get3A_792 = arith.index_cast %get3A_791 : i32 to index
        %get3A_793 = arith.index_cast %add3A_784 : i32 to index
        %get3A_794 = arith.constant 16 : index
        %get3A_795 = tpu.vector_load %arg11[%get3A_792, %get3A_793, %get3A_794] {strides = array<i32>} : memref<2x800x32xf32, #tpu.memory_space<vmem>>, vector<1x1x16xf32>,
        %get3A_796 = vector.shape_cast %get3A_795 : vector<1x1x16xf32> to vector<16xf32>
        %add3A_797 = arith.addf %scan3A_778, %get3A_796 : vector<16xf32>
        %add3A_798 = arith.constant 1 : i32
        %add3A_799 = arith.addi %add3A_784, %add3A_798 : i32
        %get3A_800 = arith.constant 0 : i32
        %get3A_801 = arith.index_cast %get3A_800 : i32 to index
        %get3A_802 = arith.index_cast %add3A_799 : i32 to index
        %get3A_803 = arith.constant 0 : index
        %get3A_804 = tpu.vector_load %arg11[%get3A_801, %get3A_802, %get3A_803] {strides = array<i32>} : memref<2x800x32xf32, #tpu.memory_space<vmem>>, vector<1x1x16xf32>,
        %get3A_805 = vector.shape_cast %get3A_804 : vector<1x1x16xf32> to vector<16xf32>
        %add3A_806 = arith.addf %scan3A_779, %get3A_805 : vector<16xf32>
        %add3A_807 = arith.constant 1 : i32
        %add3A_808 = arith.addi %add3A_784, %add3A_807 : i32
        %get3A_809 = arith.constant 0 : i32
        %get3A_810 = arith.index_cast %get3A_809 : i32 to index
        %get3A_811 = arith.index_cast %add3A_808 : i32 to index
        %get3A_812 = arith.constant 16 : index
        %get3A_813 = tpu.vector_load %arg11[%get3A_810, %get3A_811, %get3A_812] {strides = array<i32>} : memref<2x800x32xf32, #tpu.memory_space<vmem>>, vector<1x1x16xf32>,
        %get3A_814 = vector.shape_cast %get3A_813 : vector<1x1x16xf32> to vector<16xf32>
        %add3A_815 = arith.addf %scan3A_780, %get3A_814 : vector<16xf32>
        %add3A_816 = arith.constant 2 : i32
        %add3A_817 = arith.addi %add3A_784, %add3A_816 : i32
        %get3A_818 = arith.constant 0 : i32
        %get3A_819 = arith.index_cast %get3A_818 : i32 to index
        %get3A_820 = arith.index_cast %add3A_817 : i32 to index
        %get3A_821 = arith.constant 0 : index
        %get3A_822 = tpu.vector_load %arg11[%get3A_819, %get3A_820, %get3A_821] {strides = array<i32>} : memref<2x800x32xf32, #tpu.memory_space<vmem>>, vector<1x1x16xf32>,
        %get3A_823 = vector.shape_cast %get3A_822 : vector<1x1x16xf32> to vector<16xf32>
        %add3A_824 = arith.addf %add3A_790, %get3A_823 : vector<16xf32>
        %add3A_825 = arith.constant 2 : i32
        %add3A_826 = arith.addi %add3A_784, %add3A_825 : i32
        %get3A_827 = arith.constant 0 : i32
        %get3A_828 = arith.index_cast %get3A_827 : i32 to index
        %get3A_829 = arith.index_cast %add3A_826 : i32 to index
        %get3A_830 = arith.constant 16 : index
        %get3A_831 = tpu.vector_load %arg11[%get3A_828, %get3A_829, %get3A_830] {strides = array<i32>} : memref<2x800x32xf32, #tpu.memory_space<vmem>>, vector<1x1x16xf32>,
        %get3A_832 = vector.shape_cast %get3A_831 : vector<1x1x16xf32> to vector<16xf32>
        %add3A_833 = arith.addf %add3A_797, %get3A_832 : vector<16xf32>
        %add3A_834 = arith.constant 3 : i32
        %add3A_835 = arith.addi %add3A_784, %add3A_834 : i32
        %get3A_836 = arith.constant 0 : i32
        %get3A_837 = arith.index_cast %get3A_836 : i32 to index
        %get3A_838 = arith.index_cast %add3A_835 : i32 to index
        %get3A_839 = arith.constant 0 : index
        %get3A_840 = tpu.vector_load %arg11[%get3A_837, %get3A_838, %get3A_839] {strides = array<i32>} : memref<2x800x32xf32, #tpu.memory_space<vmem>>, vector<1x1x16xf32>,
        %get3A_841 = vector.shape_cast %get3A_840 : vector<1x1x16xf32> to vector<16xf32>
        %add3A_842 = arith.addf %add3A_806, %get3A_841 : vector<16xf32>
        %add3A_843 = arith.constant 3 : i32
        %add3A_844 = arith.addi %add3A_784, %add3A_843 : i32
        %get3A_845 = arith.constant 0 : i32
        %get3A_846 = arith.index_cast %get3A_845 : i32 to index
        %get3A_847 = arith.index_cast %add3A_844 : i32 to index
        %get3A_848 = arith.constant 16 : index
        %get3A_849 = tpu.vector_load %arg11[%get3A_846, %get3A_847, %get3A_848] {strides = array<i32>} : memref<2x800x32xf32, #tpu.memory_space<vmem>>, vector<1x1x16xf32>,
        %get3A_850 = vector.shape_cast %get3A_849 : vector<1x1x16xf32> to vector<16xf32>
        %add3A_851 = arith.addf %add3A_815, %get3A_850 : vector<16xf32>
        scf.yield %add3A_824, %add3A_833, %add3A_842, %add3A_851 : vector<16xf32>, vector<16xf32>, vector<16xf32>, vector<16xf32>
      }
      %scan3A_567 = arith.constant 50 : i32
      %mul3A_568 = arith.constant 4 : i32
      %mul3A_569 = arith.muli %add3A_522, %mul3A_568 : i32
      %add3A_570 = arith.constant 1 : i32
      %add3A_571 = arith.addi %mul3A_569, %add3A_570 : i32
      %add3A_572 = arith.addf %scan3A_566#0, %scan3A_566#2 : vector<16xf32>
      %swap3A_573 = arith.index_cast %add3A_571 : i32 to index
      %swap3A_574 = arith.constant 0 : index
      %swap3A_575 = tpu.vector_load %arg12[%swap3A_573, %swap3A_574] {strides = array<i32>} : memref<128x32xf32, #tpu.memory_space<vmem>>, vector<1x16xf32>,
      %swap3A_576 = vector.shape_cast %swap3A_575 : vector<1x16xf32> to vector<16xf32>
      %swap3A_577 = vector.shape_cast %add3A_572 : vector<16xf32> to vector<1x16xf32>
      tpu.vector_store %arg12[%swap3A_573, %swap3A_574], %swap3A_577 {strides = array<i32>} : memref<128x32xf32, #tpu.memory_space<vmem>>, vector<1x16xf32>,
      %add3A_578 = arith.addf %scan3A_566#1, %scan3A_566#3 : vector<16xf32>
      %swap3A_579 = arith.index_cast %add3A_571 : i32 to index
      %swap3A_580 = arith.constant 16 : index
      %swap3A_581 = tpu.vector_load %arg12[%swap3A_579, %swap3A_580] {strides = array<i32>} : memref<128x32xf32, #tpu.memory_space<vmem>>, vector<1x16xf32>,
      %swap3A_582 = vector.shape_cast %swap3A_581 : vector<1x16xf32> to vector<16xf32>
      %swap3A_583 = vector.shape_cast %add3A_578 : vector<16xf32> to vector<1x16xf32>
      tpu.vector_store %arg12[%swap3A_579, %swap3A_580], %swap3A_583 {strides = array<i32>} : memref<128x32xf32, #tpu.memory_space<vmem>>, vector<1x16xf32>,
      %broadcast_in_dim3A_584 = arith.constant 0.000000e+00 : f32
      %broadcast_in_dim3A_585 = vector.broadcast %broadcast_in_dim3A_584 : f32 to vector<16xf32>
      %scan3A_586 = arith.constant 0 : i32
      %scan3A_587 = arith.constant 50 : i32
      %scan3A_588 = arith.addi %scan3A_586, %scan3A_587 : i32
      %scan3A_589 = arith.constant 1 : i32
      %scan3A_590:4 = scf.for %scan3A_776 = %scan3A_586 to %scan3A_588 step %scan3A_589 iter_args(%scan3A_777 = %broadcast_in_dim3A_585, %scan3A_778 = %broadcast_in_dim3A_585, %scan3A_779 = %broadcast_in_dim3A_585, %scan3A_780 = %broadcast_in_dim3A_585) -> (vector<16xf32>, vector<16xf32>, vector<16xf32>, vector<16xf32>)  : i32 {
        %mul3A_781 = arith.constant 4 : i32
        %mul3A_782 = arith.muli %scan3A_776, %mul3A_781 : i32
        %add3A_783 = arith.constant 400 : i32
        %add3A_784 = arith.addi %add3A_783, %mul3A_782 : i32
        %get3A = arith.constant 0 : i32
        %get3A_785 = arith.index_cast %get3A : i32 to index
        %get3A_786 = arith.index_cast %add3A_784 : i32 to index
        %get3A_787 = arith.constant 0 : index
        %get3A_788 = tpu.vector_load %arg11[%get3A_785, %get3A_786, %get3A_787] {strides = array<i32>} : memref<2x800x32xf32, #tpu.memory_space<vmem>>, vector<1x1x16xf32>,
        %get3A_789 = vector.shape_cast %get3A_788 : vector<1x1x16xf32> to vector<16xf32>
        %add3A_790 = arith.addf %scan3A_777, %get3A_789 : vector<16xf32>
        %get3A_791 = arith.constant 0 : i32
        %get3A_792 = arith.index_cast %get3A_791 : i32 to index
        %get3A_793 = arith.index_cast %add3A_784 : i32 to index
        %get3A_794 = arith.constant 16 : index
        %get3A_795 = tpu.vector_load %arg11[%get3A_792, %get3A_793, %get3A_794] {strides = array<i32>} : memref<2x800x32xf32, #tpu.memory_space<vmem>>, vector<1x1x16xf32>,
        %get3A_796 = vector.shape_cast %get3A_795 : vector<1x1x16xf32> to vector<16xf32>
        %add3A_797 = arith.addf %scan3A_778, %get3A_796 : vector<16xf32>
        %add3A_798 = arith.constant 1 : i32
        %add3A_799 = arith.addi %add3A_784, %add3A_798 : i32
        %get3A_800 = arith.constant 0 : i32
        %get3A_801 = arith.index_cast %get3A_800 : i32 to index
        %get3A_802 = arith.index_cast %add3A_799 : i32 to index
        %get3A_803 = arith.constant 0 : index
        %get3A_804 = tpu.vector_load %arg11[%get3A_801, %get3A_802, %get3A_803] {strides = array<i32>} : memref<2x800x32xf32, #tpu.memory_space<vmem>>, vector<1x1x16xf32>,
        %get3A_805 = vector.shape_cast %get3A_804 : vector<1x1x16xf32> to vector<16xf32>
        %add3A_806 = arith.addf %scan3A_779, %get3A_805 : vector<16xf32>
        %add3A_807 = arith.constant 1 : i32
        %add3A_808 = arith.addi %add3A_784, %add3A_807 : i32
        %get3A_809 = arith.constant 0 : i32
        %get3A_810 = arith.index_cast %get3A_809 : i32 to index
        %get3A_811 = arith.index_cast %add3A_808 : i32 to index
        %get3A_812 = arith.constant 16 : index
        %get3A_813 = tpu.vector_load %arg11[%get3A_810, %get3A_811, %get3A_812] {strides = array<i32>} : memref<2x800x32xf32, #tpu.memory_space<vmem>>, vector<1x1x16xf32>,
        %get3A_814 = vector.shape_cast %get3A_813 : vector<1x1x16xf32> to vector<16xf32>
        %add3A_815 = arith.addf %scan3A_780, %get3A_814 : vector<16xf32>
        %add3A_816 = arith.constant 2 : i32
        %add3A_817 = arith.addi %add3A_784, %add3A_816 : i32
        %get3A_818 = arith.constant 0 : i32
        %get3A_819 = arith.index_cast %get3A_818 : i32 to index
        %get3A_820 = arith.index_cast %add3A_817 : i32 to index
        %get3A_821 = arith.constant 0 : index
        %get3A_822 = tpu.vector_load %arg11[%get3A_819, %get3A_820, %get3A_821] {strides = array<i32>} : memref<2x800x32xf32, #tpu.memory_space<vmem>>, vector<1x1x16xf32>,
        %get3A_823 = vector.shape_cast %get3A_822 : vector<1x1x16xf32> to vector<16xf32>
        %add3A_824 = arith.addf %add3A_790, %get3A_823 : vector<16xf32>
        %add3A_825 = arith.constant 2 : i32
        %add3A_826 = arith.addi %add3A_784, %add3A_825 : i32
        %get3A_827 = arith.constant 0 : i32
        %get3A_828 = arith.index_cast %get3A_827 : i32 to index
        %get3A_829 = arith.index_cast %add3A_826 : i32 to index
        %get3A_830 = arith.constant 16 : index
        %get3A_831 = tpu.vector_load %arg11[%get3A_828, %get3A_829, %get3A_830] {strides = array<i32>} : memref<2x800x32xf32, #tpu.memory_space<vmem>>, vector<1x1x16xf32>,
        %get3A_832 = vector.shape_cast %get3A_831 : vector<1x1x16xf32> to vector<16xf32>
        %add3A_833 = arith.addf %add3A_797, %get3A_832 : vector<16xf32>
        %add3A_834 = arith.constant 3 : i32
        %add3A_835 = arith.addi %add3A_784, %add3A_834 : i32
        %get3A_836 = arith.constant 0 : i32
        %get3A_837 = arith.index_cast %get3A_836 : i32 to index
        %get3A_838 = arith.index_cast %add3A_835 : i32 to index
        %get3A_839 = arith.constant 0 : index
        %get3A_840 = tpu.vector_load %arg11[%get3A_837, %get3A_838, %get3A_839] {strides = array<i32>} : memref<2x800x32xf32, #tpu.memory_space<vmem>>, vector<1x1x16xf32>,
        %get3A_841 = vector.shape_cast %get3A_840 : vector<1x1x16xf32> to vector<16xf32>
        %add3A_842 = arith.addf %add3A_806, %get3A_841 : vector<16xf32>
        %add3A_843 = arith.constant 3 : i32
        %add3A_844 = arith.addi %add3A_784, %add3A_843 : i32
        %get3A_845 = arith.constant 0 : i32
        %get3A_846 = arith.index_cast %get3A_845 : i32 to index
        %get3A_847 = arith.index_cast %add3A_844 : i32 to index
        %get3A_848 = arith.constant 16 : index
        %get3A_849 = tpu.vector_load %arg11[%get3A_846, %get3A_847, %get3A_848] {strides = array<i32>} : memref<2x800x32xf32, #tpu.memory_space<vmem>>, vector<1x1x16xf32>,
        %get3A_850 = vector.shape_cast %get3A_849 : vector<1x1x16xf32> to vector<16xf32>
        %add3A_851 = arith.addf %add3A_815, %get3A_850 : vector<16xf32>
        scf.yield %add3A_824, %add3A_833, %add3A_842, %add3A_851 : vector<16xf32>, vector<16xf32>, vector<16xf32>, vector<16xf32>
      }
      %scan3A_591 = arith.constant 50 : i32
      %mul3A_592 = arith.constant 4 : i32
      %mul3A_593 = arith.muli %add3A_522, %mul3A_592 : i32
      %add3A_594 = arith.constant 2 : i32
      %add3A_595 = arith.addi %mul3A_593, %add3A_594 : i32
      %add3A_596 = arith.addf %scan3A_590#0, %scan3A_590#2 : vector<16xf32>
      %swap3A_597 = arith.index_cast %add3A_595 : i32 to index
      %swap3A_598 = arith.constant 0 : index
      %swap3A_599 = tpu.vector_load %arg12[%swap3A_597, %swap3A_598] {strides = array<i32>} : memref<128x32xf32, #tpu.memory_space<vmem>>, vector<1x16xf32>,
      %swap3A_600 = vector.shape_cast %swap3A_599 : vector<1x16xf32> to vector<16xf32>
      %swap3A_601 = vector.shape_cast %add3A_596 : vector<16xf32> to vector<1x16xf32>
      tpu.vector_store %arg12[%swap3A_597, %swap3A_598], %swap3A_601 {strides = array<i32>} : memref<128x32xf32, #tpu.memory_space<vmem>>, vector<1x16xf32>,
      %add3A_602 = arith.addf %scan3A_590#1, %scan3A_590#3 : vector<16xf32>
      %swap3A_603 = arith.index_cast %add3A_595 : i32 to index
      %swap3A_604 = arith.constant 16 : index
      %swap3A_605 = tpu.vector_load %arg12[%swap3A_603, %swap3A_604] {strides = array<i32>} : memref<128x32xf32, #tpu.memory_space<vmem>>, vector<1x16xf32>,
      %swap3A_606 = vector.shape_cast %swap3A_605 : vector<1x16xf32> to vector<16xf32>
      %swap3A_607 = vector.shape_cast %add3A_602 : vector<16xf32> to vector<1x16xf32>
      tpu.vector_store %arg12[%swap3A_603, %swap3A_604], %swap3A_607 {strides = array<i32>} : memref<128x32xf32, #tpu.memory_space<vmem>>, vector<1x16xf32>,
      %broadcast_in_dim3A_608 = arith.constant 0.000000e+00 : f32
      %broadcast_in_dim3A_609 = vector.broadcast %broadcast_in_dim3A_608 : f32 to vector<16xf32>
      %scan3A_610 = arith.constant 0 : i32
      %scan3A_611 = arith.constant 50 : i32
      %scan3A_612 = arith.addi %scan3A_610, %scan3A_611 : i32
      %scan3A_613 = arith.constant 1 : i32
      %scan3A_614:4 = scf.for %scan3A_776 = %scan3A_610 to %scan3A_612 step %scan3A_613 iter_args(%scan3A_777 = %broadcast_in_dim3A_609, %scan3A_778 = %broadcast_in_dim3A_609, %scan3A_779 = %broadcast_in_dim3A_609, %scan3A_780 = %broadcast_in_dim3A_609) -> (vector<16xf32>, vector<16xf32>, vector<16xf32>, vector<16xf32>)  : i32 {
        %mul3A_781 = arith.constant 4 : i32
        %mul3A_782 = arith.muli %scan3A_776, %mul3A_781 : i32
        %add3A_783 = arith.constant 600 : i32
        %add3A_784 = arith.addi %add3A_783, %mul3A_782 : i32
        %get3A = arith.constant 0 : i32
        %get3A_785 = arith.index_cast %get3A : i32 to index
        %get3A_786 = arith.index_cast %add3A_784 : i32 to index
        %get3A_787 = arith.constant 0 : index
        %get3A_788 = tpu.vector_load %arg11[%get3A_785, %get3A_786, %get3A_787] {strides = array<i32>} : memref<2x800x32xf32, #tpu.memory_space<vmem>>, vector<1x1x16xf32>,
        %get3A_789 = vector.shape_cast %get3A_788 : vector<1x1x16xf32> to vector<16xf32>
        %add3A_790 = arith.addf %scan3A_777, %get3A_789 : vector<16xf32>
        %get3A_791 = arith.constant 0 : i32
        %get3A_792 = arith.index_cast %get3A_791 : i32 to index
        %get3A_793 = arith.index_cast %add3A_784 : i32 to index
        %get3A_794 = arith.constant 16 : index
        %get3A_795 = tpu.vector_load %arg11[%get3A_792, %get3A_793, %get3A_794] {strides = array<i32>} : memref<2x800x32xf32, #tpu.memory_space<vmem>>, vector<1x1x16xf32>,
        %get3A_796 = vector.shape_cast %get3A_795 : vector<1x1x16xf32> to vector<16xf32>
        %add3A_797 = arith.addf %scan3A_778, %get3A_796 : vector<16xf32>
        %add3A_798 = arith.constant 1 : i32
        %add3A_799 = arith.addi %add3A_784, %add3A_798 : i32
        %get3A_800 = arith.constant 0 : i32
        %get3A_801 = arith.index_cast %get3A_800 : i32 to index
        %get3A_802 = arith.index_cast %add3A_799 : i32 to index
        %get3A_803 = arith.constant 0 : index
        %get3A_804 = tpu.vector_load %arg11[%get3A_801, %get3A_802, %get3A_803] {strides = array<i32>} : memref<2x800x32xf32, #tpu.memory_space<vmem>>, vector<1x1x16xf32>,
        %get3A_805 = vector.shape_cast %get3A_804 : vector<1x1x16xf32> to vector<16xf32>
        %add3A_806 = arith.addf %scan3A_779, %get3A_805 : vector<16xf32>
        %add3A_807 = arith.constant 1 : i32
        %add3A_808 = arith.addi %add3A_784, %add3A_807 : i32
        %get3A_809 = arith.constant 0 : i32
        %get3A_810 = arith.index_cast %get3A_809 : i32 to index
        %get3A_811 = arith.index_cast %add3A_808 : i32 to index
        %get3A_812 = arith.constant 16 : index
        %get3A_813 = tpu.vector_load %arg11[%get3A_810, %get3A_811, %get3A_812] {strides = array<i32>} : memref<2x800x32xf32, #tpu.memory_space<vmem>>, vector<1x1x16xf32>,
        %get3A_814 = vector.shape_cast %get3A_813 : vector<1x1x16xf32> to vector<16xf32>
        %add3A_815 = arith.addf %scan3A_780, %get3A_814 : vector<16xf32>
        %add3A_816 = arith.constant 2 : i32
        %add3A_817 = arith.addi %add3A_784, %add3A_816 : i32
        %get3A_818 = arith.constant 0 : i32
        %get3A_819 = arith.index_cast %get3A_818 : i32 to index
        %get3A_820 = arith.index_cast %add3A_817 : i32 to index
        %get3A_821 = arith.constant 0 : index
        %get3A_822 = tpu.vector_load %arg11[%get3A_819, %get3A_820, %get3A_821] {strides = array<i32>} : memref<2x800x32xf32, #tpu.memory_space<vmem>>, vector<1x1x16xf32>,
        %get3A_823 = vector.shape_cast %get3A_822 : vector<1x1x16xf32> to vector<16xf32>
        %add3A_824 = arith.addf %add3A_790, %get3A_823 : vector<16xf32>
        %add3A_825 = arith.constant 2 : i32
        %add3A_826 = arith.addi %add3A_784, %add3A_825 : i32
        %get3A_827 = arith.constant 0 : i32
        %get3A_828 = arith.index_cast %get3A_827 : i32 to index
        %get3A_829 = arith.index_cast %add3A_826 : i32 to index
        %get3A_830 = arith.constant 16 : index
        %get3A_831 = tpu.vector_load %arg11[%get3A_828, %get3A_829, %get3A_830] {strides = array<i32>} : memref<2x800x32xf32, #tpu.memory_space<vmem>>, vector<1x1x16xf32>,
        %get3A_832 = vector.shape_cast %get3A_831 : vector<1x1x16xf32> to vector<16xf32>
        %add3A_833 = arith.addf %add3A_797, %get3A_832 : vector<16xf32>
        %add3A_834 = arith.constant 3 : i32
        %add3A_835 = arith.addi %add3A_784, %add3A_834 : i32
        %get3A_836 = arith.constant 0 : i32
        %get3A_837 = arith.index_cast %get3A_836 : i32 to index
        %get3A_838 = arith.index_cast %add3A_835 : i32 to index
        %get3A_839 = arith.constant 0 : index
        %get3A_840 = tpu.vector_load %arg11[%get3A_837, %get3A_838, %get3A_839] {strides = array<i32>} : memref<2x800x32xf32, #tpu.memory_space<vmem>>, vector<1x1x16xf32>,
        %get3A_841 = vector.shape_cast %get3A_840 : vector<1x1x16xf32> to vector<16xf32>
        %add3A_842 = arith.addf %add3A_806, %get3A_841 : vector<16xf32>
        %add3A_843 = arith.constant 3 : i32
        %add3A_844 = arith.addi %add3A_784, %add3A_843 : i32
        %get3A_845 = arith.constant 0 : i32
        %get3A_846 = arith.index_cast %get3A_845 : i32 to index
        %get3A_847 = arith.index_cast %add3A_844 : i32 to index
        %get3A_848 = arith.constant 16 : index
        %get3A_849 = tpu.vector_load %arg11[%get3A_846, %get3A_847, %get3A_848] {strides = array<i32>} : memref<2x800x32xf32, #tpu.memory_space<vmem>>, vector<1x1x16xf32>,
        %get3A_850 = vector.shape_cast %get3A_849 : vector<1x1x16xf32> to vector<16xf32>
        %add3A_851 = arith.addf %add3A_815, %get3A_850 : vector<16xf32>
        scf.yield %add3A_824, %add3A_833, %add3A_842, %add3A_851 : vector<16xf32>, vector<16xf32>, vector<16xf32>, vector<16xf32>
      }
      %scan3A_615 = arith.constant 50 : i32
      %mul3A_616 = arith.constant 4 : i32
      %mul3A_617 = arith.muli %add3A_522, %mul3A_616 : i32
      %add3A_618 = arith.constant 3 : i32
      %add3A_619 = arith.addi %mul3A_617, %add3A_618 : i32
      %add3A_620 = arith.addf %scan3A_614#0, %scan3A_614#2 : vector<16xf32>
      %swap3A_621 = arith.index_cast %add3A_619 : i32 to index
      %swap3A_622 = arith.constant 0 : index
      %swap3A_623 = tpu.vector_load %arg12[%swap3A_621, %swap3A_622] {strides = array<i32>} : memref<128x32xf32, #tpu.memory_space<vmem>>, vector<1x16xf32>,
      %swap3A_624 = vector.shape_cast %swap3A_623 : vector<1x16xf32> to vector<16xf32>
      %swap3A_625 = vector.shape_cast %add3A_620 : vector<16xf32> to vector<1x16xf32>
      tpu.vector_store %arg12[%swap3A_621, %swap3A_622], %swap3A_625 {strides = array<i32>} : memref<128x32xf32, #tpu.memory_space<vmem>>, vector<1x16xf32>,
      %add3A_626 = arith.addf %scan3A_614#1, %scan3A_614#3 : vector<16xf32>
      %swap3A_627 = arith.index_cast %add3A_619 : i32 to index
      %swap3A_628 = arith.constant 16 : index
      %swap3A_629 = tpu.vector_load %arg12[%swap3A_627, %swap3A_628] {strides = array<i32>} : memref<128x32xf32, #tpu.memory_space<vmem>>, vector<1x16xf32>,
      %swap3A_630 = vector.shape_cast %swap3A_629 : vector<1x16xf32> to vector<16xf32>
      %swap3A_631 = vector.shape_cast %add3A_626 : vector<16xf32> to vector<1x16xf32>
      tpu.vector_store %arg12[%swap3A_627, %swap3A_628], %swap3A_631 {strides = array<i32>} : memref<128x32xf32, #tpu.memory_space<vmem>>, vector<1x16xf32>,
      %add3A_632 = arith.constant 2 : i32
      %add3A_633 = arith.addi %add3A_522, %add3A_632 : i32
      %min3A = arith.constant 31 : i32
      %min3A_634 = arith.minsi %add3A_633, %min3A : i32
      %mul3A_635 = arith.constant 800 : i32
      %mul3A_636 = arith.muli %min3A_634, %mul3A_635 : i32
      %dma_start3A_637 = arith.constant 0 : i32
      %dma_start3A_638 = arith.constant 0 : i32
      %dma_start3A_639 = arith.constant 0 : i32
      %dma_start3A_640 = tpu.memref_slice %arg11[%dma_start3A_637, %dma_start3A_638, %dma_start3A_639] : memref<2x800x32xf32, #tpu.memory_space<vmem>> -> memref<1x800x32xf32, #tpu.memory_space<vmem>>
      %dma_start3A_641 = tpu.memref_squeeze %dma_start3A_640 : memref<1x800x32xf32, #tpu.memory_space<vmem>> -> memref<800x32xf32, #tpu.memory_space<vmem>>
      %dma_start3A_642 = tpu.memref_slice %arg10[%mul3A_636] : memref<25600xi32, #tpu.memory_space<vmem>> -> memref<800xi32, #tpu.memory_space<vmem>>
      %dma_start3A_643 = arith.constant 0 : i32
      %dma_start3A_644 = arith.constant 0 : i32
      %dma_start3A_645 = tpu.memref_slice %arg4[%dma_start3A_643, %dma_start3A_644] : memref<1015808x32xf32, #tpu.memory_space<hbm>> -> memref<1015808x32xf32, #tpu.memory_space<hbm>>
      tpu.enqueue_indirect_dma source(%dma_start3A_645 : memref<1015808x32xf32, #tpu.memory_space<hbm>>) target(%dma_start3A_641 : memref<800x32xf32, #tpu.memory_space<vmem>>) offsets(%dma_start3A_642 : memref<800xi32, #tpu.memory_space<vmem>>) semaphore(%arg13 : memref<!tpu.dma_semaphore, #tpu.memory_space<semaphore_mem>>)
      %mul3A_646 = arith.constant 2 : i32
      %mul3A_647 = arith.muli %scan3A_518, %mul3A_646 : i32
      %add3A_648 = arith.constant 1 : i32
      %add3A_649 = arith.addi %mul3A_647, %add3A_648 : i32
      %dma_wait3A_650 = arith.constant 1 : i32
      %dma_wait3A_651 = arith.constant 0 : i32
      %dma_wait3A_652 = arith.constant 0 : i32
      %dma_wait3A_653 = tpu.memref_slice %arg11[%dma_wait3A_650, %dma_wait3A_651, %dma_wait3A_652] : memref<2x800x32xf32, #tpu.memory_space<vmem>> -> memref<1x800x32xf32, #tpu.memory_space<vmem>>
      %dma_wait3A_654 = tpu.memref_squeeze %dma_wait3A_653 : memref<1x800x32xf32, #tpu.memory_space<vmem>> -> memref<800x32xf32, #tpu.memory_space<vmem>>
      %dma_wait3A_655 = arith.constant 0 : i32
      %dma_wait3A_656 = arith.constant 0 : i32
      %dma_wait3A_657 = tpu.memref_slice %arg4[%dma_wait3A_655, %dma_wait3A_656] : memref<1015808x32xf32, #tpu.memory_space<hbm>> -> memref<800x32xf32, #tpu.memory_space<hbm>>
      %dma_wait3A_658 = arith.constant 0 : i32
      %dma_wait3A_659 = arith.constant 0 : i32
      %dma_wait3A_660 = tpu.memref_slice %arg11[%dma_wait3A_650, %dma_wait3A_658, %dma_wait3A_659] : memref<2x800x32xf32, #tpu.memory_space<vmem>> -> memref<1x800x32xf32, #tpu.memory_space<vmem>>
      %dma_wait3A_661 = tpu.memref_squeeze %dma_wait3A_660 : memref<1x800x32xf32, #tpu.memory_space<vmem>> -> memref<800x32xf32, #tpu.memory_space<vmem>>
      %dma_wait3A_662 = arith.constant 0 : i32
      %dma_wait3A_663 = arith.constant 0 : i32
      %dma_wait3A_664 = tpu.memref_slice %arg4[%dma_wait3A_662, %dma_wait3A_663] : memref<1015808x32xf32, #tpu.memory_space<hbm>> -> memref<800x32xf32, #tpu.memory_space<hbm>>
      tpu.wait_dma2 semaphore(%arg14 : memref<!tpu.dma_semaphore, #tpu.memory_space<semaphore_mem>>) src(%dma_wait3A_664 : memref<800x32xf32, #tpu.memory_space<hbm>>) dst(%dma_wait3A_661 : memref<800x32xf32, #tpu.memory_space<vmem>>)
      %broadcast_in_dim3A_665 = arith.constant 0.000000e+00 : f32
      %broadcast_in_dim3A_666 = vector.broadcast %broadcast_in_dim3A_665 : f32 to vector<16xf32>
      %scan3A_667 = arith.constant 0 : i32
      %scan3A_668 = arith.constant 50 : i32
      %scan3A_669 = arith.addi %scan3A_667, %scan3A_668 : i32
      %scan3A_670 = arith.constant 1 : i32
      %scan3A_671:4 = scf.for %scan3A_776 = %scan3A_667 to %scan3A_669 step %scan3A_670 iter_args(%scan3A_777 = %broadcast_in_dim3A_666, %scan3A_778 = %broadcast_in_dim3A_666, %scan3A_779 = %broadcast_in_dim3A_666, %scan3A_780 = %broadcast_in_dim3A_666) -> (vector<16xf32>, vector<16xf32>, vector<16xf32>, vector<16xf32>)  : i32 {
        %mul3A_781 = arith.constant 4 : i32
        %mul3A_782 = arith.muli %scan3A_776, %mul3A_781 : i32
        %add3A_783 = arith.constant 0 : i32
        %add3A_784 = arith.addi %add3A_783, %mul3A_782 : i32
        %get3A = arith.constant 1 : i32
        %get3A_785 = arith.index_cast %get3A : i32 to index
        %get3A_786 = arith.index_cast %add3A_784 : i32 to index
        %get3A_787 = arith.constant 0 : index
        %get3A_788 = tpu.vector_load %arg11[%get3A_785, %get3A_786, %get3A_787] {strides = array<i32>} : memref<2x800x32xf32, #tpu.memory_space<vmem>>, vector<1x1x16xf32>,
        %get3A_789 = vector.shape_cast %get3A_788 : vector<1x1x16xf32> to vector<16xf32>
        %add3A_790 = arith.addf %scan3A_777, %get3A_789 : vector<16xf32>
        %get3A_791 = arith.constant 1 : i32
        %get3A_792 = arith.index_cast %get3A_791 : i32 to index
        %get3A_793 = arith.index_cast %add3A_784 : i32 to index
        %get3A_794 = arith.constant 16 : index
        %get3A_795 = tpu.vector_load %arg11[%get3A_792, %get3A_793, %get3A_794] {strides = array<i32>} : memref<2x800x32xf32, #tpu.memory_space<vmem>>, vector<1x1x16xf32>,
        %get3A_796 = vector.shape_cast %get3A_795 : vector<1x1x16xf32> to vector<16xf32>
        %add3A_797 = arith.addf %scan3A_778, %get3A_796 : vector<16xf32>
        %add3A_798 = arith.constant 1 : i32
        %add3A_799 = arith.addi %add3A_784, %add3A_798 : i32
        %get3A_800 = arith.constant 1 : i32
        %get3A_801 = arith.index_cast %get3A_800 : i32 to index
        %get3A_802 = arith.index_cast %add3A_799 : i32 to index
        %get3A_803 = arith.constant 0 : index
        %get3A_804 = tpu.vector_load %arg11[%get3A_801, %get3A_802, %get3A_803] {strides = array<i32>} : memref<2x800x32xf32, #tpu.memory_space<vmem>>, vector<1x1x16xf32>,
        %get3A_805 = vector.shape_cast %get3A_804 : vector<1x1x16xf32> to vector<16xf32>
        %add3A_806 = arith.addf %scan3A_779, %get3A_805 : vector<16xf32>
        %add3A_807 = arith.constant 1 : i32
        %add3A_808 = arith.addi %add3A_784, %add3A_807 : i32
        %get3A_809 = arith.constant 1 : i32
        %get3A_810 = arith.index_cast %get3A_809 : i32 to index
        %get3A_811 = arith.index_cast %add3A_808 : i32 to index
        %get3A_812 = arith.constant 16 : index
        %get3A_813 = tpu.vector_load %arg11[%get3A_810, %get3A_811, %get3A_812] {strides = array<i32>} : memref<2x800x32xf32, #tpu.memory_space<vmem>>, vector<1x1x16xf32>,
        %get3A_814 = vector.shape_cast %get3A_813 : vector<1x1x16xf32> to vector<16xf32>
        %add3A_815 = arith.addf %scan3A_780, %get3A_814 : vector<16xf32>
        %add3A_816 = arith.constant 2 : i32
        %add3A_817 = arith.addi %add3A_784, %add3A_816 : i32
        %get3A_818 = arith.constant 1 : i32
        %get3A_819 = arith.index_cast %get3A_818 : i32 to index
        %get3A_820 = arith.index_cast %add3A_817 : i32 to index
        %get3A_821 = arith.constant 0 : index
        %get3A_822 = tpu.vector_load %arg11[%get3A_819, %get3A_820, %get3A_821] {strides = array<i32>} : memref<2x800x32xf32, #tpu.memory_space<vmem>>, vector<1x1x16xf32>,
        %get3A_823 = vector.shape_cast %get3A_822 : vector<1x1x16xf32> to vector<16xf32>
        %add3A_824 = arith.addf %add3A_790, %get3A_823 : vector<16xf32>
        %add3A_825 = arith.constant 2 : i32
        %add3A_826 = arith.addi %add3A_784, %add3A_825 : i32
        %get3A_827 = arith.constant 1 : i32
        %get3A_828 = arith.index_cast %get3A_827 : i32 to index
        %get3A_829 = arith.index_cast %add3A_826 : i32 to index
        %get3A_830 = arith.constant 16 : index
        %get3A_831 = tpu.vector_load %arg11[%get3A_828, %get3A_829, %get3A_830] {strides = array<i32>} : memref<2x800x32xf32, #tpu.memory_space<vmem>>, vector<1x1x16xf32>,
        %get3A_832 = vector.shape_cast %get3A_831 : vector<1x1x16xf32> to vector<16xf32>
        %add3A_833 = arith.addf %add3A_797, %get3A_832 : vector<16xf32>
        %add3A_834 = arith.constant 3 : i32
        %add3A_835 = arith.addi %add3A_784, %add3A_834 : i32
        %get3A_836 = arith.constant 1 : i32
        %get3A_837 = arith.index_cast %get3A_836 : i32 to index
        %get3A_838 = arith.index_cast %add3A_835 : i32 to index
        %get3A_839 = arith.constant 0 : index
        %get3A_840 = tpu.vector_load %arg11[%get3A_837, %get3A_838, %get3A_839] {strides = array<i32>} : memref<2x800x32xf32, #tpu.memory_space<vmem>>, vector<1x1x16xf32>,
        %get3A_841 = vector.shape_cast %get3A_840 : vector<1x1x16xf32> to vector<16xf32>
        %add3A_842 = arith.addf %add3A_806, %get3A_841 : vector<16xf32>
        %add3A_843 = arith.constant 3 : i32
        %add3A_844 = arith.addi %add3A_784, %add3A_843 : i32
        %get3A_845 = arith.constant 1 : i32
        %get3A_846 = arith.index_cast %get3A_845 : i32 to index
        %get3A_847 = arith.index_cast %add3A_844 : i32 to index
        %get3A_848 = arith.constant 16 : index
        %get3A_849 = tpu.vector_load %arg11[%get3A_846, %get3A_847, %get3A_848] {strides = array<i32>} : memref<2x800x32xf32, #tpu.memory_space<vmem>>, vector<1x1x16xf32>,
        %get3A_850 = vector.shape_cast %get3A_849 : vector<1x1x16xf32> to vector<16xf32>
        %add3A_851 = arith.addf %add3A_815, %get3A_850 : vector<16xf32>
        scf.yield %add3A_824, %add3A_833, %add3A_842, %add3A_851 : vector<16xf32>, vector<16xf32>, vector<16xf32>, vector<16xf32>
      }
      %scan3A_672 = arith.constant 50 : i32
      %mul3A_673 = arith.constant 4 : i32
      %mul3A_674 = arith.muli %add3A_649, %mul3A_673 : i32
      %add3A_675 = arith.constant 0 : i32
      %add3A_676 = arith.addi %mul3A_674, %add3A_675 : i32
      %add3A_677 = arith.addf %scan3A_671#0, %scan3A_671#2 : vector<16xf32>
      %swap3A_678 = arith.index_cast %add3A_676 : i32 to index
      %swap3A_679 = arith.constant 0 : index
      %swap3A_680 = tpu.vector_load %arg12[%swap3A_678, %swap3A_679] {strides = array<i32>} : memref<128x32xf32, #tpu.memory_space<vmem>>, vector<1x16xf32>,
      %swap3A_681 = vector.shape_cast %swap3A_680 : vector<1x16xf32> to vector<16xf32>
      %swap3A_682 = vector.shape_cast %add3A_677 : vector<16xf32> to vector<1x16xf32>
      tpu.vector_store %arg12[%swap3A_678, %swap3A_679], %swap3A_682 {strides = array<i32>} : memref<128x32xf32, #tpu.memory_space<vmem>>, vector<1x16xf32>,
      %add3A_683 = arith.addf %scan3A_671#1, %scan3A_671#3 : vector<16xf32>
      %swap3A_684 = arith.index_cast %add3A_676 : i32 to index
      %swap3A_685 = arith.constant 16 : index
      %swap3A_686 = tpu.vector_load %arg12[%swap3A_684, %swap3A_685] {strides = array<i32>} : memref<128x32xf32, #tpu.memory_space<vmem>>, vector<1x16xf32>,
      %swap3A_687 = vector.shape_cast %swap3A_686 : vector<1x16xf32> to vector<16xf32>
      %swap3A_688 = vector.shape_cast %add3A_683 : vector<16xf32> to vector<1x16xf32>
      tpu.vector_store %arg12[%swap3A_684, %swap3A_685], %swap3A_688 {strides = array<i32>} : memref<128x32xf32, #tpu.memory_space<vmem>>, vector<1x16xf32>,
      %broadcast_in_dim3A_689 = arith.constant 0.000000e+00 : f32
      %broadcast_in_dim3A_690 = vector.broadcast %broadcast_in_dim3A_689 : f32 to vector<16xf32>
      %scan3A_691 = arith.constant 0 : i32
      %scan3A_692 = arith.constant 50 : i32
      %scan3A_693 = arith.addi %scan3A_691, %scan3A_692 : i32
      %scan3A_694 = arith.constant 1 : i32
      %scan3A_695:4 = scf.for %scan3A_776 = %scan3A_691 to %scan3A_693 step %scan3A_694 iter_args(%scan3A_777 = %broadcast_in_dim3A_690, %scan3A_778 = %broadcast_in_dim3A_690, %scan3A_779 = %broadcast_in_dim3A_690, %scan3A_780 = %broadcast_in_dim3A_690) -> (vector<16xf32>, vector<16xf32>, vector<16xf32>, vector<16xf32>)  : i32 {
        %mul3A_781 = arith.constant 4 : i32
        %mul3A_782 = arith.muli %scan3A_776, %mul3A_781 : i32
        %add3A_783 = arith.constant 200 : i32
        %add3A_784 = arith.addi %add3A_783, %mul3A_782 : i32
        %get3A = arith.constant 1 : i32
        %get3A_785 = arith.index_cast %get3A : i32 to index
        %get3A_786 = arith.index_cast %add3A_784 : i32 to index
        %get3A_787 = arith.constant 0 : index
        %get3A_788 = tpu.vector_load %arg11[%get3A_785, %get3A_786, %get3A_787] {strides = array<i32>} : memref<2x800x32xf32, #tpu.memory_space<vmem>>, vector<1x1x16xf32>,
        %get3A_789 = vector.shape_cast %get3A_788 : vector<1x1x16xf32> to vector<16xf32>
        %add3A_790 = arith.addf %scan3A_777, %get3A_789 : vector<16xf32>
        %get3A_791 = arith.constant 1 : i32
        %get3A_792 = arith.index_cast %get3A_791 : i32 to index
        %get3A_793 = arith.index_cast %add3A_784 : i32 to index
        %get3A_794 = arith.constant 16 : index
        %get3A_795 = tpu.vector_load %arg11[%get3A_792, %get3A_793, %get3A_794] {strides = array<i32>} : memref<2x800x32xf32, #tpu.memory_space<vmem>>, vector<1x1x16xf32>,
        %get3A_796 = vector.shape_cast %get3A_795 : vector<1x1x16xf32> to vector<16xf32>
        %add3A_797 = arith.addf %scan3A_778, %get3A_796 : vector<16xf32>
        %add3A_798 = arith.constant 1 : i32
        %add3A_799 = arith.addi %add3A_784, %add3A_798 : i32
        %get3A_800 = arith.constant 1 : i32
        %get3A_801 = arith.index_cast %get3A_800 : i32 to index
        %get3A_802 = arith.index_cast %add3A_799 : i32 to index
        %get3A_803 = arith.constant 0 : index
        %get3A_804 = tpu.vector_load %arg11[%get3A_801, %get3A_802, %get3A_803] {strides = array<i32>} : memref<2x800x32xf32, #tpu.memory_space<vmem>>, vector<1x1x16xf32>,
        %get3A_805 = vector.shape_cast %get3A_804 : vector<1x1x16xf32> to vector<16xf32>
        %add3A_806 = arith.addf %scan3A_779, %get3A_805 : vector<16xf32>
        %add3A_807 = arith.constant 1 : i32
        %add3A_808 = arith.addi %add3A_784, %add3A_807 : i32
        %get3A_809 = arith.constant 1 : i32
        %get3A_810 = arith.index_cast %get3A_809 : i32 to index
        %get3A_811 = arith.index_cast %add3A_808 : i32 to index
        %get3A_812 = arith.constant 16 : index
        %get3A_813 = tpu.vector_load %arg11[%get3A_810, %get3A_811, %get3A_812] {strides = array<i32>} : memref<2x800x32xf32, #tpu.memory_space<vmem>>, vector<1x1x16xf32>,
        %get3A_814 = vector.shape_cast %get3A_813 : vector<1x1x16xf32> to vector<16xf32>
        %add3A_815 = arith.addf %scan3A_780, %get3A_814 : vector<16xf32>
        %add3A_816 = arith.constant 2 : i32
        %add3A_817 = arith.addi %add3A_784, %add3A_816 : i32
        %get3A_818 = arith.constant 1 : i32
        %get3A_819 = arith.index_cast %get3A_818 : i32 to index
        %get3A_820 = arith.index_cast %add3A_817 : i32 to index
        %get3A_821 = arith.constant 0 : index
        %get3A_822 = tpu.vector_load %arg11[%get3A_819, %get3A_820, %get3A_821] {strides = array<i32>} : memref<2x800x32xf32, #tpu.memory_space<vmem>>, vector<1x1x16xf32>,
        %get3A_823 = vector.shape_cast %get3A_822 : vector<1x1x16xf32> to vector<16xf32>
        %add3A_824 = arith.addf %add3A_790, %get3A_823 : vector<16xf32>
        %add3A_825 = arith.constant 2 : i32
        %add3A_826 = arith.addi %add3A_784, %add3A_825 : i32
        %get3A_827 = arith.constant 1 : i32
        %get3A_828 = arith.index_cast %get3A_827 : i32 to index
        %get3A_829 = arith.index_cast %add3A_826 : i32 to index
        %get3A_830 = arith.constant 16 : index
        %get3A_831 = tpu.vector_load %arg11[%get3A_828, %get3A_829, %get3A_830] {strides = array<i32>} : memref<2x800x32xf32, #tpu.memory_space<vmem>>, vector<1x1x16xf32>,
        %get3A_832 = vector.shape_cast %get3A_831 : vector<1x1x16xf32> to vector<16xf32>
        %add3A_833 = arith.addf %add3A_797, %get3A_832 : vector<16xf32>
        %add3A_834 = arith.constant 3 : i32
        %add3A_835 = arith.addi %add3A_784, %add3A_834 : i32
        %get3A_836 = arith.constant 1 : i32
        %get3A_837 = arith.index_cast %get3A_836 : i32 to index
        %get3A_838 = arith.index_cast %add3A_835 : i32 to index
        %get3A_839 = arith.constant 0 : index
        %get3A_840 = tpu.vector_load %arg11[%get3A_837, %get3A_838, %get3A_839] {strides = array<i32>} : memref<2x800x32xf32, #tpu.memory_space<vmem>>, vector<1x1x16xf32>,
        %get3A_841 = vector.shape_cast %get3A_840 : vector<1x1x16xf32> to vector<16xf32>
        %add3A_842 = arith.addf %add3A_806, %get3A_841 : vector<16xf32>
        %add3A_843 = arith.constant 3 : i32
        %add3A_844 = arith.addi %add3A_784, %add3A_843 : i32
        %get3A_845 = arith.constant 1 : i32
        %get3A_846 = arith.index_cast %get3A_845 : i32 to index
        %get3A_847 = arith.index_cast %add3A_844 : i32 to index
        %get3A_848 = arith.constant 16 : index
        %get3A_849 = tpu.vector_load %arg11[%get3A_846, %get3A_847, %get3A_848] {strides = array<i32>} : memref<2x800x32xf32, #tpu.memory_space<vmem>>, vector<1x1x16xf32>,
        %get3A_850 = vector.shape_cast %get3A_849 : vector<1x1x16xf32> to vector<16xf32>
        %add3A_851 = arith.addf %add3A_815, %get3A_850 : vector<16xf32>
        scf.yield %add3A_824, %add3A_833, %add3A_842, %add3A_851 : vector<16xf32>, vector<16xf32>, vector<16xf32>, vector<16xf32>
      }
      %scan3A_696 = arith.constant 50 : i32
      %mul3A_697 = arith.constant 4 : i32
      %mul3A_698 = arith.muli %add3A_649, %mul3A_697 : i32
      %add3A_699 = arith.constant 1 : i32
      %add3A_700 = arith.addi %mul3A_698, %add3A_699 : i32
      %add3A_701 = arith.addf %scan3A_695#0, %scan3A_695#2 : vector<16xf32>
      %swap3A_702 = arith.index_cast %add3A_700 : i32 to index
      %swap3A_703 = arith.constant 0 : index
      %swap3A_704 = tpu.vector_load %arg12[%swap3A_702, %swap3A_703] {strides = array<i32>} : memref<128x32xf32, #tpu.memory_space<vmem>>, vector<1x16xf32>,
      %swap3A_705 = vector.shape_cast %swap3A_704 : vector<1x16xf32> to vector<16xf32>
      %swap3A_706 = vector.shape_cast %add3A_701 : vector<16xf32> to vector<1x16xf32>
      tpu.vector_store %arg12[%swap3A_702, %swap3A_703], %swap3A_706 {strides = array<i32>} : memref<128x32xf32, #tpu.memory_space<vmem>>, vector<1x16xf32>,
      %add3A_707 = arith.addf %scan3A_695#1, %scan3A_695#3 : vector<16xf32>
      %swap3A_708 = arith.index_cast %add3A_700 : i32 to index
      %swap3A_709 = arith.constant 16 : index
      %swap3A_710 = tpu.vector_load %arg12[%swap3A_708, %swap3A_709] {strides = array<i32>} : memref<128x32xf32, #tpu.memory_space<vmem>>, vector<1x16xf32>,
      %swap3A_711 = vector.shape_cast %swap3A_710 : vector<1x16xf32> to vector<16xf32>
      %swap3A_712 = vector.shape_cast %add3A_707 : vector<16xf32> to vector<1x16xf32>
      tpu.vector_store %arg12[%swap3A_708, %swap3A_709], %swap3A_712 {strides = array<i32>} : memref<128x32xf32, #tpu.memory_space<vmem>>, vector<1x16xf32>,
      %broadcast_in_dim3A_713 = arith.constant 0.000000e+00 : f32
      %broadcast_in_dim3A_714 = vector.broadcast %broadcast_in_dim3A_713 : f32 to vector<16xf32>
      %scan3A_715 = arith.constant 0 : i32
      %scan3A_716 = arith.constant 50 : i32
      %scan3A_717 = arith.addi %scan3A_715, %scan3A_716 : i32
      %scan3A_718 = arith.constant 1 : i32
      %scan3A_719:4 = scf.for %scan3A_776 = %scan3A_715 to %scan3A_717 step %scan3A_718 iter_args(%scan3A_777 = %broadcast_in_dim3A_714, %scan3A_778 = %broadcast_in_dim3A_714, %scan3A_779 = %broadcast_in_dim3A_714, %scan3A_780 = %broadcast_in_dim3A_714) -> (vector<16xf32>, vector<16xf32>, vector<16xf32>, vector<16xf32>)  : i32 {
        %mul3A_781 = arith.constant 4 : i32
        %mul3A_782 = arith.muli %scan3A_776, %mul3A_781 : i32
        %add3A_783 = arith.constant 400 : i32
        %add3A_784 = arith.addi %add3A_783, %mul3A_782 : i32
        %get3A = arith.constant 1 : i32
        %get3A_785 = arith.index_cast %get3A : i32 to index
        %get3A_786 = arith.index_cast %add3A_784 : i32 to index
        %get3A_787 = arith.constant 0 : index
        %get3A_788 = tpu.vector_load %arg11[%get3A_785, %get3A_786, %get3A_787] {strides = array<i32>} : memref<2x800x32xf32, #tpu.memory_space<vmem>>, vector<1x1x16xf32>,
        %get3A_789 = vector.shape_cast %get3A_788 : vector<1x1x16xf32> to vector<16xf32>
        %add3A_790 = arith.addf %scan3A_777, %get3A_789 : vector<16xf32>
        %get3A_791 = arith.constant 1 : i32
        %get3A_792 = arith.index_cast %get3A_791 : i32 to index
        %get3A_793 = arith.index_cast %add3A_784 : i32 to index
        %get3A_794 = arith.constant 16 : index
        %get3A_795 = tpu.vector_load %arg11[%get3A_792, %get3A_793, %get3A_794] {strides = array<i32>} : memref<2x800x32xf32, #tpu.memory_space<vmem>>, vector<1x1x16xf32>,
        %get3A_796 = vector.shape_cast %get3A_795 : vector<1x1x16xf32> to vector<16xf32>
        %add3A_797 = arith.addf %scan3A_778, %get3A_796 : vector<16xf32>
        %add3A_798 = arith.constant 1 : i32
        %add3A_799 = arith.addi %add3A_784, %add3A_798 : i32
        %get3A_800 = arith.constant 1 : i32
        %get3A_801 = arith.index_cast %get3A_800 : i32 to index
        %get3A_802 = arith.index_cast %add3A_799 : i32 to index
        %get3A_803 = arith.constant 0 : index
        %get3A_804 = tpu.vector_load %arg11[%get3A_801, %get3A_802, %get3A_803] {strides = array<i32>} : memref<2x800x32xf32, #tpu.memory_space<vmem>>, vector<1x1x16xf32>,
        %get3A_805 = vector.shape_cast %get3A_804 : vector<1x1x16xf32> to vector<16xf32>
        %add3A_806 = arith.addf %scan3A_779, %get3A_805 : vector<16xf32>
        %add3A_807 = arith.constant 1 : i32
        %add3A_808 = arith.addi %add3A_784, %add3A_807 : i32
        %get3A_809 = arith.constant 1 : i32
        %get3A_810 = arith.index_cast %get3A_809 : i32 to index
        %get3A_811 = arith.index_cast %add3A_808 : i32 to index
        %get3A_812 = arith.constant 16 : index
        %get3A_813 = tpu.vector_load %arg11[%get3A_810, %get3A_811, %get3A_812] {strides = array<i32>} : memref<2x800x32xf32, #tpu.memory_space<vmem>>, vector<1x1x16xf32>,
        %get3A_814 = vector.shape_cast %get3A_813 : vector<1x1x16xf32> to vector<16xf32>
        %add3A_815 = arith.addf %scan3A_780, %get3A_814 : vector<16xf32>
        %add3A_816 = arith.constant 2 : i32
        %add3A_817 = arith.addi %add3A_784, %add3A_816 : i32
        %get3A_818 = arith.constant 1 : i32
        %get3A_819 = arith.index_cast %get3A_818 : i32 to index
        %get3A_820 = arith.index_cast %add3A_817 : i32 to index
        %get3A_821 = arith.constant 0 : index
        %get3A_822 = tpu.vector_load %arg11[%get3A_819, %get3A_820, %get3A_821] {strides = array<i32>} : memref<2x800x32xf32, #tpu.memory_space<vmem>>, vector<1x1x16xf32>,
        %get3A_823 = vector.shape_cast %get3A_822 : vector<1x1x16xf32> to vector<16xf32>
        %add3A_824 = arith.addf %add3A_790, %get3A_823 : vector<16xf32>
        %add3A_825 = arith.constant 2 : i32
        %add3A_826 = arith.addi %add3A_784, %add3A_825 : i32
        %get3A_827 = arith.constant 1 : i32
        %get3A_828 = arith.index_cast %get3A_827 : i32 to index
        %get3A_829 = arith.index_cast %add3A_826 : i32 to index
        %get3A_830 = arith.constant 16 : index
        %get3A_831 = tpu.vector_load %arg11[%get3A_828, %get3A_829, %get3A_830] {strides = array<i32>} : memref<2x800x32xf32, #tpu.memory_space<vmem>>, vector<1x1x16xf32>,
        %get3A_832 = vector.shape_cast %get3A_831 : vector<1x1x16xf32> to vector<16xf32>
        %add3A_833 = arith.addf %add3A_797, %get3A_832 : vector<16xf32>
        %add3A_834 = arith.constant 3 : i32
        %add3A_835 = arith.addi %add3A_784, %add3A_834 : i32
        %get3A_836 = arith.constant 1 : i32
        %get3A_837 = arith.index_cast %get3A_836 : i32 to index
        %get3A_838 = arith.index_cast %add3A_835 : i32 to index
        %get3A_839 = arith.constant 0 : index
        %get3A_840 = tpu.vector_load %arg11[%get3A_837, %get3A_838, %get3A_839] {strides = array<i32>} : memref<2x800x32xf32, #tpu.memory_space<vmem>>, vector<1x1x16xf32>,
        %get3A_841 = vector.shape_cast %get3A_840 : vector<1x1x16xf32> to vector<16xf32>
        %add3A_842 = arith.addf %add3A_806, %get3A_841 : vector<16xf32>
        %add3A_843 = arith.constant 3 : i32
        %add3A_844 = arith.addi %add3A_784, %add3A_843 : i32
        %get3A_845 = arith.constant 1 : i32
        %get3A_846 = arith.index_cast %get3A_845 : i32 to index
        %get3A_847 = arith.index_cast %add3A_844 : i32 to index
        %get3A_848 = arith.constant 16 : index
        %get3A_849 = tpu.vector_load %arg11[%get3A_846, %get3A_847, %get3A_848] {strides = array<i32>} : memref<2x800x32xf32, #tpu.memory_space<vmem>>, vector<1x1x16xf32>,
        %get3A_850 = vector.shape_cast %get3A_849 : vector<1x1x16xf32> to vector<16xf32>
        %add3A_851 = arith.addf %add3A_815, %get3A_850 : vector<16xf32>
        scf.yield %add3A_824, %add3A_833, %add3A_842, %add3A_851 : vector<16xf32>, vector<16xf32>, vector<16xf32>, vector<16xf32>
      }
      %scan3A_720 = arith.constant 50 : i32
      %mul3A_721 = arith.constant 4 : i32
      %mul3A_722 = arith.muli %add3A_649, %mul3A_721 : i32
      %add3A_723 = arith.constant 2 : i32
      %add3A_724 = arith.addi %mul3A_722, %add3A_723 : i32
      %add3A_725 = arith.addf %scan3A_719#0, %scan3A_719#2 : vector<16xf32>
      %swap3A_726 = arith.index_cast %add3A_724 : i32 to index
      %swap3A_727 = arith.constant 0 : index
      %swap3A_728 = tpu.vector_load %arg12[%swap3A_726, %swap3A_727] {strides = array<i32>} : memref<128x32xf32, #tpu.memory_space<vmem>>, vector<1x16xf32>,
      %swap3A_729 = vector.shape_cast %swap3A_728 : vector<1x16xf32> to vector<16xf32>
      %swap3A_730 = vector.shape_cast %add3A_725 : vector<16xf32> to vector<1x16xf32>
      tpu.vector_store %arg12[%swap3A_726, %swap3A_727], %swap3A_730 {strides = array<i32>} : memref<128x32xf32, #tpu.memory_space<vmem>>, vector<1x16xf32>,
      %add3A_731 = arith.addf %scan3A_719#1, %scan3A_719#3 : vector<16xf32>
      %swap3A_732 = arith.index_cast %add3A_724 : i32 to index
      %swap3A_733 = arith.constant 16 : index
      %swap3A_734 = tpu.vector_load %arg12[%swap3A_732, %swap3A_733] {strides = array<i32>} : memref<128x32xf32, #tpu.memory_space<vmem>>, vector<1x16xf32>,
      %swap3A_735 = vector.shape_cast %swap3A_734 : vector<1x16xf32> to vector<16xf32>
      %swap3A_736 = vector.shape_cast %add3A_731 : vector<16xf32> to vector<1x16xf32>
      tpu.vector_store %arg12[%swap3A_732, %swap3A_733], %swap3A_736 {strides = array<i32>} : memref<128x32xf32, #tpu.memory_space<vmem>>, vector<1x16xf32>,
      %broadcast_in_dim3A_737 = arith.constant 0.000000e+00 : f32
      %broadcast_in_dim3A_738 = vector.broadcast %broadcast_in_dim3A_737 : f32 to vector<16xf32>
      %scan3A_739 = arith.constant 0 : i32
      %scan3A_740 = arith.constant 50 : i32
      %scan3A_741 = arith.addi %scan3A_739, %scan3A_740 : i32
      %scan3A_742 = arith.constant 1 : i32
      %scan3A_743:4 = scf.for %scan3A_776 = %scan3A_739 to %scan3A_741 step %scan3A_742 iter_args(%scan3A_777 = %broadcast_in_dim3A_738, %scan3A_778 = %broadcast_in_dim3A_738, %scan3A_779 = %broadcast_in_dim3A_738, %scan3A_780 = %broadcast_in_dim3A_738) -> (vector<16xf32>, vector<16xf32>, vector<16xf32>, vector<16xf32>)  : i32 {
        %mul3A_781 = arith.constant 4 : i32
        %mul3A_782 = arith.muli %scan3A_776, %mul3A_781 : i32
        %add3A_783 = arith.constant 600 : i32
        %add3A_784 = arith.addi %add3A_783, %mul3A_782 : i32
        %get3A = arith.constant 1 : i32
        %get3A_785 = arith.index_cast %get3A : i32 to index
        %get3A_786 = arith.index_cast %add3A_784 : i32 to index
        %get3A_787 = arith.constant 0 : index
        %get3A_788 = tpu.vector_load %arg11[%get3A_785, %get3A_786, %get3A_787] {strides = array<i32>} : memref<2x800x32xf32, #tpu.memory_space<vmem>>, vector<1x1x16xf32>,
        %get3A_789 = vector.shape_cast %get3A_788 : vector<1x1x16xf32> to vector<16xf32>
        %add3A_790 = arith.addf %scan3A_777, %get3A_789 : vector<16xf32>
        %get3A_791 = arith.constant 1 : i32
        %get3A_792 = arith.index_cast %get3A_791 : i32 to index
        %get3A_793 = arith.index_cast %add3A_784 : i32 to index
        %get3A_794 = arith.constant 16 : index
        %get3A_795 = tpu.vector_load %arg11[%get3A_792, %get3A_793, %get3A_794] {strides = array<i32>} : memref<2x800x32xf32, #tpu.memory_space<vmem>>, vector<1x1x16xf32>,
        %get3A_796 = vector.shape_cast %get3A_795 : vector<1x1x16xf32> to vector<16xf32>
        %add3A_797 = arith.addf %scan3A_778, %get3A_796 : vector<16xf32>
        %add3A_798 = arith.constant 1 : i32
        %add3A_799 = arith.addi %add3A_784, %add3A_798 : i32
        %get3A_800 = arith.constant 1 : i32
        %get3A_801 = arith.index_cast %get3A_800 : i32 to index
        %get3A_802 = arith.index_cast %add3A_799 : i32 to index
        %get3A_803 = arith.constant 0 : index
        %get3A_804 = tpu.vector_load %arg11[%get3A_801, %get3A_802, %get3A_803] {strides = array<i32>} : memref<2x800x32xf32, #tpu.memory_space<vmem>>, vector<1x1x16xf32>,
        %get3A_805 = vector.shape_cast %get3A_804 : vector<1x1x16xf32> to vector<16xf32>
        %add3A_806 = arith.addf %scan3A_779, %get3A_805 : vector<16xf32>
        %add3A_807 = arith.constant 1 : i32
        %add3A_808 = arith.addi %add3A_784, %add3A_807 : i32
        %get3A_809 = arith.constant 1 : i32
        %get3A_810 = arith.index_cast %get3A_809 : i32 to index
        %get3A_811 = arith.index_cast %add3A_808 : i32 to index
        %get3A_812 = arith.constant 16 : index
        %get3A_813 = tpu.vector_load %arg11[%get3A_810, %get3A_811, %get3A_812] {strides = array<i32>} : memref<2x800x32xf32, #tpu.memory_space<vmem>>, vector<1x1x16xf32>,
        %get3A_814 = vector.shape_cast %get3A_813 : vector<1x1x16xf32> to vector<16xf32>
        %add3A_815 = arith.addf %scan3A_780, %get3A_814 : vector<16xf32>
        %add3A_816 = arith.constant 2 : i32
        %add3A_817 = arith.addi %add3A_784, %add3A_816 : i32
        %get3A_818 = arith.constant 1 : i32
        %get3A_819 = arith.index_cast %get3A_818 : i32 to index
        %get3A_820 = arith.index_cast %add3A_817 : i32 to index
        %get3A_821 = arith.constant 0 : index
        %get3A_822 = tpu.vector_load %arg11[%get3A_819, %get3A_820, %get3A_821] {strides = array<i32>} : memref<2x800x32xf32, #tpu.memory_space<vmem>>, vector<1x1x16xf32>,
        %get3A_823 = vector.shape_cast %get3A_822 : vector<1x1x16xf32> to vector<16xf32>
        %add3A_824 = arith.addf %add3A_790, %get3A_823 : vector<16xf32>
        %add3A_825 = arith.constant 2 : i32
        %add3A_826 = arith.addi %add3A_784, %add3A_825 : i32
        %get3A_827 = arith.constant 1 : i32
        %get3A_828 = arith.index_cast %get3A_827 : i32 to index
        %get3A_829 = arith.index_cast %add3A_826 : i32 to index
        %get3A_830 = arith.constant 16 : index
        %get3A_831 = tpu.vector_load %arg11[%get3A_828, %get3A_829, %get3A_830] {strides = array<i32>} : memref<2x800x32xf32, #tpu.memory_space<vmem>>, vector<1x1x16xf32>,
        %get3A_832 = vector.shape_cast %get3A_831 : vector<1x1x16xf32> to vector<16xf32>
        %add3A_833 = arith.addf %add3A_797, %get3A_832 : vector<16xf32>
        %add3A_834 = arith.constant 3 : i32
        %add3A_835 = arith.addi %add3A_784, %add3A_834 : i32
        %get3A_836 = arith.constant 1 : i32
        %get3A_837 = arith.index_cast %get3A_836 : i32 to index
        %get3A_838 = arith.index_cast %add3A_835 : i32 to index
        %get3A_839 = arith.constant 0 : index
        %get3A_840 = tpu.vector_load %arg11[%get3A_837, %get3A_838, %get3A_839] {strides = array<i32>} : memref<2x800x32xf32, #tpu.memory_space<vmem>>, vector<1x1x16xf32>,
        %get3A_841 = vector.shape_cast %get3A_840 : vector<1x1x16xf32> to vector<16xf32>
        %add3A_842 = arith.addf %add3A_806, %get3A_841 : vector<16xf32>
        %add3A_843 = arith.constant 3 : i32
        %add3A_844 = arith.addi %add3A_784, %add3A_843 : i32
        %get3A_845 = arith.constant 1 : i32
        %get3A_846 = arith.index_cast %get3A_845 : i32 to index
        %get3A_847 = arith.index_cast %add3A_844 : i32 to index
        %get3A_848 = arith.constant 16 : index
        %get3A_849 = tpu.vector_load %arg11[%get3A_846, %get3A_847, %get3A_848] {strides = array<i32>} : memref<2x800x32xf32, #tpu.memory_space<vmem>>, vector<1x1x16xf32>,
        %get3A_850 = vector.shape_cast %get3A_849 : vector<1x1x16xf32> to vector<16xf32>
        %add3A_851 = arith.addf %add3A_815, %get3A_850 : vector<16xf32>
        scf.yield %add3A_824, %add3A_833, %add3A_842, %add3A_851 : vector<16xf32>, vector<16xf32>, vector<16xf32>, vector<16xf32>
      }
      %scan3A_744 = arith.constant 50 : i32
      %mul3A_745 = arith.constant 4 : i32
      %mul3A_746 = arith.muli %add3A_649, %mul3A_745 : i32
      %add3A_747 = arith.constant 3 : i32
      %add3A_748 = arith.addi %mul3A_746, %add3A_747 : i32
      %add3A_749 = arith.addf %scan3A_743#0, %scan3A_743#2 : vector<16xf32>
      %swap3A_750 = arith.index_cast %add3A_748 : i32 to index
      %swap3A_751 = arith.constant 0 : index
      %swap3A_752 = tpu.vector_load %arg12[%swap3A_750, %swap3A_751] {strides = array<i32>} : memref<128x32xf32, #tpu.memory_space<vmem>>, vector<1x16xf32>,
      %swap3A_753 = vector.shape_cast %swap3A_752 : vector<1x16xf32> to vector<16xf32>
      %swap3A_754 = vector.shape_cast %add3A_749 : vector<16xf32> to vector<1x16xf32>
      tpu.vector_store %arg12[%swap3A_750, %swap3A_751], %swap3A_754 {strides = array<i32>} : memref<128x32xf32, #tpu.memory_space<vmem>>, vector<1x16xf32>,
      %add3A_755 = arith.addf %scan3A_743#1, %scan3A_743#3 : vector<16xf32>
      %swap3A_756 = arith.index_cast %add3A_748 : i32 to index
      %swap3A_757 = arith.constant 16 : index
      %swap3A_758 = tpu.vector_load %arg12[%swap3A_756, %swap3A_757] {strides = array<i32>} : memref<128x32xf32, #tpu.memory_space<vmem>>, vector<1x16xf32>,
      %swap3A_759 = vector.shape_cast %swap3A_758 : vector<1x16xf32> to vector<16xf32>
      %swap3A_760 = vector.shape_cast %add3A_755 : vector<16xf32> to vector<1x16xf32>
      tpu.vector_store %arg12[%swap3A_756, %swap3A_757], %swap3A_760 {strides = array<i32>} : memref<128x32xf32, #tpu.memory_space<vmem>>, vector<1x16xf32>,
      %add3A_761 = arith.constant 2 : i32
      %add3A_762 = arith.addi %add3A_649, %add3A_761 : i32
      %min3A_763 = arith.constant 31 : i32
      %min3A_764 = arith.minsi %add3A_762, %min3A_763 : i32
      %mul3A_765 = arith.constant 800 : i32
      %mul3A_766 = arith.muli %min3A_764, %mul3A_765 : i32
      %dma_start3A_767 = arith.constant 1 : i32
      %dma_start3A_768 = arith.constant 0 : i32
      %dma_start3A_769 = arith.constant 0 : i32
      %dma_start3A_770 = tpu.memref_slice %arg11[%dma_start3A_767, %dma_start3A_768, %dma_start3A_769] : memref<2x800x32xf32, #tpu.memory_space<vmem>> -> memref<1x800x32xf32, #tpu.memory_space<vmem>>
      %dma_start3A_771 = tpu.memref_squeeze %dma_start3A_770 : memref<1x800x32xf32, #tpu.memory_space<vmem>> -> memref<800x32xf32, #tpu.memory_space<vmem>>
      %dma_start3A_772 = tpu.memref_slice %arg10[%mul3A_766] : memref<25600xi32, #tpu.memory_space<vmem>> -> memref<800xi32, #tpu.memory_space<vmem>>
      %dma_start3A_773 = arith.constant 0 : i32
      %dma_start3A_774 = arith.constant 0 : i32
      %dma_start3A_775 = tpu.memref_slice %arg4[%dma_start3A_773, %dma_start3A_774] : memref<1015808x32xf32, #tpu.memory_space<hbm>> -> memref<1015808x32xf32, #tpu.memory_space<hbm>>
      tpu.enqueue_indirect_dma source(%dma_start3A_775 : memref<1015808x32xf32, #tpu.memory_space<hbm>>) target(%dma_start3A_771 : memref<800x32xf32, #tpu.memory_space<vmem>>) offsets(%dma_start3A_772 : memref<800xi32, #tpu.memory_space<vmem>>) semaphore(%arg14 : memref<!tpu.dma_semaphore, #tpu.memory_space<semaphore_mem>>)
    }
    %scan3A_485 = arith.constant 16 : i32
    %dma_wait3A_486 = arith.constant 0 : i32
    %dma_wait3A_487 = arith.constant 0 : i32
    %dma_wait3A_488 = arith.constant 0 : i32
    %dma_wait3A_489 = tpu.memref_slice %arg11[%dma_wait3A_486, %dma_wait3A_487, %dma_wait3A_488] : memref<2x800x32xf32, #tpu.memory_space<vmem>> -> memref<1x800x32xf32, #tpu.memory_space<vmem>>
    %dma_wait3A_490 = tpu.memref_squeeze %dma_wait3A_489 : memref<1x800x32xf32, #tpu.memory_space<vmem>> -> memref<800x32xf32, #tpu.memory_space<vmem>>
    %dma_wait3A_491 = arith.constant 0 : i32
    %dma_wait3A_492 = arith.constant 0 : i32
    %dma_wait3A_493 = tpu.memref_slice %arg4[%dma_wait3A_491, %dma_wait3A_492] : memref<1015808x32xf32, #tpu.memory_space<hbm>> -> memref<800x32xf32, #tpu.memory_space<hbm>>
    %dma_wait3A_494 = arith.constant 0 : i32
    %dma_wait3A_495 = arith.constant 0 : i32
    %dma_wait3A_496 = tpu.memref_slice %arg11[%dma_wait3A_486, %dma_wait3A_494, %dma_wait3A_495] : memref<2x800x32xf32, #tpu.memory_space<vmem>> -> memref<1x800x32xf32, #tpu.memory_space<vmem>>
    %dma_wait3A_497 = tpu.memref_squeeze %dma_wait3A_496 : memref<1x800x32xf32, #tpu.memory_space<vmem>> -> memref<800x32xf32, #tpu.memory_space<vmem>>
    %dma_wait3A_498 = arith.constant 0 : i32
    %dma_wait3A_499 = arith.constant 0 : i32
    %dma_wait3A_500 = tpu.memref_slice %arg4[%dma_wait3A_498, %dma_wait3A_499] : memref<1015808x32xf32, #tpu.memory_space<hbm>> -> memref<800x32xf32, #tpu.memory_space<hbm>>
    tpu.wait_dma2 semaphore(%arg13 : memref<!tpu.dma_semaphore, #tpu.memory_space<semaphore_mem>>) src(%dma_wait3A_500 : memref<800x32xf32, #tpu.memory_space<hbm>>) dst(%dma_wait3A_497 : memref<800x32xf32, #tpu.memory_space<vmem>>)
    %dma_wait3A_501 = arith.constant 1 : i32
    %dma_wait3A_502 = arith.constant 0 : i32
    %dma_wait3A_503 = arith.constant 0 : i32
    %dma_wait3A_504 = tpu.memref_slice %arg11[%dma_wait3A_501, %dma_wait3A_502, %dma_wait3A_503] : memref<2x800x32xf32, #tpu.memory_space<vmem>> -> memref<1x800x32xf32, #tpu.memory_space<vmem>>
    %dma_wait3A_505 = tpu.memref_squeeze %dma_wait3A_504 : memref<1x800x32xf32, #tpu.memory_space<vmem>> -> memref<800x32xf32, #tpu.memory_space<vmem>>
    %dma_wait3A_506 = arith.constant 0 : i32
    %dma_wait3A_507 = arith.constant 0 : i32
    %dma_wait3A_508 = tpu.memref_slice %arg4[%dma_wait3A_506, %dma_wait3A_507] : memref<1015808x32xf32, #tpu.memory_space<hbm>> -> memref<800x32xf32, #tpu.memory_space<hbm>>
    %dma_wait3A_509 = arith.constant 0 : i32
    %dma_wait3A_510 = arith.constant 0 : i32
    %dma_wait3A_511 = tpu.memref_slice %arg11[%dma_wait3A_501, %dma_wait3A_509, %dma_wait3A_510] : memref<2x800x32xf32, #tpu.memory_space<vmem>> -> memref<1x800x32xf32, #tpu.memory_space<vmem>>
    %dma_wait3A_512 = tpu.memref_squeeze %dma_wait3A_511 : memref<1x800x32xf32, #tpu.memory_space<vmem>> -> memref<800x32xf32, #tpu.memory_space<vmem>>
    %dma_wait3A_513 = arith.constant 0 : i32
    %dma_wait3A_514 = arith.constant 0 : i32
    %dma_wait3A_515 = tpu.memref_slice %arg4[%dma_wait3A_513, %dma_wait3A_514] : memref<1015808x32xf32, #tpu.memory_space<hbm>> -> memref<800x32xf32, #tpu.memory_space<hbm>>
    tpu.wait_dma2 semaphore(%arg14 : memref<!tpu.dma_semaphore, #tpu.memory_space<semaphore_mem>>) src(%dma_wait3A_515 : memref<800x32xf32, #tpu.memory_space<hbm>>) dst(%dma_wait3A_512 : memref<800x32xf32, #tpu.memory_space<vmem>>)
    %mul3A_516 = arith.constant 128 : i32
    %mul3A_517 = arith.muli %add3A, %mul3A_516 : i32
    "tpu.region"() ({
      %run_scoped3A = tpu.sem_alloc : memref<!tpu.dma_semaphore, #tpu.memory_space<semaphore_mem>>
      %dma_start3A_518 = arith.constant 0 : i32
      %dma_start3A_519 = tpu.memref_slice %arg7[%mul3A_517, %dma_start3A_518] : memref<4096x32xf32, #tpu.memory_space<hbm>> -> memref<128x32xf32, #tpu.memory_space<hbm>>
      %dma_start3A_520 = arith.constant 0 : i32
      %dma_start3A_521 = tpu.memref_slice %arg7[%mul3A_517, %dma_start3A_520] : memref<4096x32xf32, #tpu.memory_space<hbm>> -> memref<128x32xf32, #tpu.memory_space<hbm>>
      tpu.enqueue_dma source(%arg12 : memref<128x32xf32, #tpu.memory_space<vmem>>) target(%dma_start3A_521 : memref<128x32xf32, #tpu.memory_space<hbm>>) target_semaphore(%run_scoped3A : memref<!tpu.dma_semaphore, #tpu.memory_space<semaphore_mem>>)
      %dma_wait3A_522 = arith.constant 0 : i32
      %dma_wait3A_523 = tpu.memref_slice %arg7[%mul3A_517, %dma_wait3A_522] : memref<4096x32xf32, #tpu.memory_space<hbm>> -> memref<128x32xf32, #tpu.memory_space<hbm>>
      %dma_wait3A_524 = arith.constant 0 : i32
      %dma_wait3A_525 = tpu.memref_slice %arg7[%mul3A_517, %dma_wait3A_524] : memref<4096x32xf32, #tpu.memory_space<hbm>> -> memref<128x32xf32, #tpu.memory_space<hbm>>
      tpu.wait_dma2 semaphore(%run_scoped3A : memref<!tpu.dma_semaphore, #tpu.memory_space<semaphore_mem>>) src(%arg12 : memref<128x32xf32, #tpu.memory_space<vmem>>) dst(%dma_wait3A_525 : memref<128x32xf32, #tpu.memory_space<hbm>>)
      tpu.yield
    }) : () -> ()
    return
  }
}

module attributes {stable_mosaic.version = 14 : i64} {
  func.func @_tx_body(%arg0: i32, %arg1: memref<32x4096xf32, #tpu.memory_space<vmem>>, %arg2: memref<32x4096xf32, #tpu.memory_space<vmem>>, %arg3: memref<32x4096xf32, #tpu.memory_space<vmem>>, %arg4: memref<32x4096xf32, #tpu.memory_space<vmem>>, %arg5: memref<4096x128xf32, #tpu.memory_space<vmem>>) attributes {dimension_semantics = [#tpu.dimension_semantics<arbitrary>], iteration_bounds = array<i64: 62>, scalar_prefetch = 0 : i64, scratch_operands = 0 : i64, tpu.core_type = #tpu.core_type<tc>, window_params = [{transform_indices = @transform_0, window_bounds = array<i64: 32, 4096>}, {transform_indices = @transform_1, window_bounds = array<i64: 32, 4096>}, {transform_indices = @transform_2, window_bounds = array<i64: 32, 4096>}, {transform_indices = @transform_3, window_bounds = array<i64: 32, 4096>}, {transform_indices = @transform_4, window_bounds = array<i64: 4096, 128>}]} {
    %get3A = arith.constant 0 : index
    %get3A_0 = arith.constant 0 : index
    %get3A_1 = vector.load %arg1[%get3A, %get3A_0] : memref<32x4096xf32, #tpu.memory_space<vmem>>, vector<32x4096xf32>
    %get3A_2 = arith.constant 0 : index
    %get3A_3 = arith.constant 0 : index
    %get3A_4 = vector.load %arg2[%get3A_2, %get3A_3] : memref<32x4096xf32, #tpu.memory_space<vmem>>, vector<32x4096xf32>
    %get3A_5 = arith.constant 0 : index
    %get3A_6 = arith.constant 0 : index
    %get3A_7 = vector.load %arg3[%get3A_5, %get3A_6] : memref<32x4096xf32, #tpu.memory_space<vmem>>, vector<32x4096xf32>
    %get3A_8 = arith.constant 0 : index
    %get3A_9 = arith.constant 0 : index
    %get3A_10 = vector.load %arg4[%get3A_8, %get3A_9] : memref<32x4096xf32, #tpu.memory_space<vmem>>, vector<32x4096xf32>
    %concatenate3A = tpu.concatenate %get3A_1, %get3A_4, %get3A_7, %get3A_10 in 0 : vector<32x4096xf32>, vector<32x4096xf32>, vector<32x4096xf32>, vector<32x4096xf32> -> vector<128x4096xf32>
    %transpose3A = tpu.transpose %concatenate3A, [1, 0] : vector<128x4096xf32> -> vector<4096x128xf32>
    %swap3A = arith.constant 0 : index
    %swap3A_11 = arith.constant 0 : index
    %swap3A_12 = vector.load %arg5[%swap3A, %swap3A_11] : memref<4096x128xf32, #tpu.memory_space<vmem>>, vector<4096x128xf32>
    tpu.vector_store %arg5[%swap3A, %swap3A_11], %transpose3A {strides = array<i32>} : memref<4096x128xf32, #tpu.memory_space<vmem>>, vector<4096x128xf32>,
    return
  }
  func.func @transform_0(%arg0: i32) -> (i32, i32) {
    %mul3A = arith.constant 4 : i32
    %mul3A_0 = arith.muli %mul3A, %arg0 : i32
    %add3A = arith.constant 0 : i32
    %add3A_1 = arith.addi %mul3A_0, %add3A : i32
    %min3A = arith.constant 244 : i32
    %min3A_2 = arith.minsi %add3A_1, %min3A : i32
    %c0_i32 = arith.constant 0 : i32
    %c0_i32_3 = arith.constant 0 : i32
    return %c0_i32, %min3A_2 : i32, i32
  }
  func.func @transform_1(%arg0: i32) -> (i32, i32) {
    %mul3A = arith.constant 4 : i32
    %mul3A_0 = arith.muli %mul3A, %arg0 : i32
    %add3A = arith.constant 1 : i32
    %add3A_1 = arith.addi %mul3A_0, %add3A : i32
    %min3A = arith.constant 244 : i32
    %min3A_2 = arith.minsi %add3A_1, %min3A : i32
    %c0_i32 = arith.constant 0 : i32
    %c0_i32_3 = arith.constant 0 : i32
    return %c0_i32, %min3A_2 : i32, i32
  }
  func.func @transform_2(%arg0: i32) -> (i32, i32) {
    %mul3A = arith.constant 4 : i32
    %mul3A_0 = arith.muli %mul3A, %arg0 : i32
    %add3A = arith.constant 2 : i32
    %add3A_1 = arith.addi %mul3A_0, %add3A : i32
    %min3A = arith.constant 244 : i32
    %min3A_2 = arith.minsi %add3A_1, %min3A : i32
    %c0_i32 = arith.constant 0 : i32
    %c0_i32_3 = arith.constant 0 : i32
    return %c0_i32, %min3A_2 : i32, i32
  }
  func.func @transform_3(%arg0: i32) -> (i32, i32) {
    %mul3A = arith.constant 4 : i32
    %mul3A_0 = arith.muli %mul3A, %arg0 : i32
    %add3A = arith.constant 3 : i32
    %add3A_1 = arith.addi %mul3A_0, %add3A : i32
    %min3A = arith.constant 244 : i32
    %min3A_2 = arith.minsi %add3A_1, %min3A : i32
    %c0_i32 = arith.constant 0 : i32
    %c0_i32_3 = arith.constant 0 : i32
    return %c0_i32, %min3A_2 : i32, i32
  }
  func.func @transform_4(%arg0: i32) -> (i32, i32) {
    %c0_i32 = arith.constant 0 : i32
    %c0_i32_0 = arith.constant 0 : i32
    return %arg0, %c0_i32 : i32, i32
  }
}

module attributes {stable_mosaic.version = 14 : i64} {
  func.func @_mlp_body(%arg0: i32, %arg1: memref<256x832xf32, #tpu.memory_space<vmem>>, %arg2: memref<256x32xf32, #tpu.memory_space<vmem>>, %arg3: memref<256x200xi32, #tpu.memory_space<vmem>>, %arg4: memref<864x256xf32, #tpu.memory_space<vmem>>, %arg5: memref<1x256xf32, #tpu.memory_space<vmem>>, %arg6: memref<256x128xf32, #tpu.memory_space<vmem>>, %arg7: memref<1x128xf32, #tpu.memory_space<vmem>>, %arg8: memref<256x128xf32, #tpu.memory_space<vmem>>) attributes {dimension_semantics = [#tpu.dimension_semantics<arbitrary>], iteration_bounds = array<i64: 16>, scalar_prefetch = 0 : i64, scratch_operands = 0 : i64, tpu.core_type = #tpu.core_type<tc>, window_params = [{transform_indices = @transform_0, window_bounds = array<i64: 256, 832>}, {transform_indices = @transform_1, window_bounds = array<i64: 256, 32>}, {transform_indices = @transform_2, window_bounds = array<i64: 256, 200>}, {pipeline_mode = #tpu.pipeline_mode<synchronous>, transform_indices = @transform_3, window_bounds = array<i64: 864, 256>}, {pipeline_mode = #tpu.pipeline_mode<synchronous>, transform_indices = @transform_4, window_bounds = array<i64: 1, 256>}, {pipeline_mode = #tpu.pipeline_mode<synchronous>, transform_indices = @transform_5, window_bounds = array<i64: 256, 128>}, {pipeline_mode = #tpu.pipeline_mode<synchronous>, transform_indices = @transform_6, window_bounds = array<i64: 1, 128>}, {transform_indices = @transform_7, window_bounds = array<i64: 256, 128>}]} {
    %get3A = arith.constant 0 : index
    %get3A_0 = arith.constant 0 : index
    %get3A_1 = vector.load %arg1[%get3A, %get3A_0] : memref<256x832xf32, #tpu.memory_space<vmem>>, vector<256x832xf32>
    %get3A_2 = arith.constant 0 : index
    %get3A_3 = arith.constant 0 : index
    %get3A_4 = vector.load %arg3[%get3A_2, %get3A_3] : memref<256x200xi32, #tpu.memory_space<vmem>>, vector<256x200xi32>
    %ne3A = arith.constant 0 : i32
    %ne3A_5 = vector.broadcast %ne3A : i32 to vector<256x200xi32>
    %ne3A_6 = arith.cmpi ne, %get3A_4, %ne3A_5 : vector<256x200xi32>
    %convert_element_type3A = arith.extui %ne3A_6 : vector<256x200xi1> to vector<256x200xi32>
    %convert_element_type3A_7 = arith.sitofp %convert_element_type3A : vector<256x200xi32> to vector<256x200xf32>
    %reduce_sum3A = arith.constant dense<0.000000e+00> : vector<256xf32>
    %reduce_sum3A_8 = vector.multi_reduction <add>, %convert_element_type3A_7, %reduce_sum3A [1] : vector<256x200xf32> to vector<256xf32>
    %broadcast_in_dim3A = vector.shape_cast %reduce_sum3A_8 : vector<256xf32> to vector<256x1xf32>
    %gt3A = arith.constant 0.000000e+00 : f32
    %gt3A_9 = vector.broadcast %gt3A : f32 to vector<256x1xf32>
    %gt3A_10 = arith.cmpf ogt, %broadcast_in_dim3A, %gt3A_9 : vector<256x1xf32>
    %get3A_11 = arith.constant 0 : index
    %get3A_12 = arith.constant 0 : index
    %get3A_13 = vector.load %arg2[%get3A_11, %get3A_12] : memref<256x32xf32, #tpu.memory_space<vmem>>, vector<256x32xf32>
    %max3A = arith.constant 1.000000e+00 : f32
    %max3A_14 = vector.broadcast %max3A : f32 to vector<256x1xf32>
    %max3A_15 = arith.maximumf %broadcast_in_dim3A, %max3A_14 : vector<256x1xf32>
    %div3A = vector.broadcast %max3A_15 : vector<256x1xf32> to vector<256x32xf32>
    %div3A_16 = arith.divf %get3A_13, %div3A : vector<256x32xf32>
    %jit3A = arith.constant 0.000000e+00 : f32
    %broadcast_in_dim3A_17 = vector.shape_cast %gt3A_10 : vector<256x1xi1> to vector<256x1xi1>
    %broadcast_in_dim3A_18 = vector.broadcast %broadcast_in_dim3A_17 : vector<256x1xi1> to vector<256x32xi1>
    %broadcast_in_dim3A_19 = vector.broadcast %jit3A : f32 to vector<256x32xf32>
    %select_n3A = arith.select %broadcast_in_dim3A_18, %div3A_16, %broadcast_in_dim3A_19 : vector<256x32xi1>, vector<256x32xf32>
    %get3A_20 = arith.constant 0 : index
    %get3A_21 = arith.constant 0 : index
    %get3A_22 = vector.load %arg4[%get3A_20, %get3A_21] : memref<864x256xf32, #tpu.memory_space<vmem>>, vector<832x256xf32>
    %dot_general3A = arith.constant dense<0.000000e+00> : vector<256x256xf32>
    %dot_general3A_23 = tpu.matmul %get3A_1, %get3A_22, %dot_general3A {dimension_numbers = #tpu.dot_dimension_numbers<[1], [0], [0], [1], [0, 0, 1, 1], [], []>, transpose_lhs_hint = false} : vector<256x832xf32>, vector<832x256xf32>, vector<256x256xf32> -> vector<256x256xf32>
    %get3A_24 = arith.constant 832 : index
    %get3A_25 = arith.constant 0 : index
    %get3A_26 = vector.load %arg4[%get3A_24, %get3A_25] : memref<864x256xf32, #tpu.memory_space<vmem>>, vector<32x256xf32>
    %dot_general3A_27 = arith.constant dense<0.000000e+00> : vector<256x256xf32>
    %dot_general3A_28 = tpu.matmul %select_n3A, %get3A_26, %dot_general3A_27 {dimension_numbers = #tpu.dot_dimension_numbers<[1], [0], [0], [1], [0, 0, 1, 1], [], []>, transpose_lhs_hint = false} : vector<256x32xf32>, vector<32x256xf32>, vector<256x256xf32> -> vector<256x256xf32>
    %add3A = arith.addf %dot_general3A_23, %dot_general3A_28 : vector<256x256xf32>
    %get3A_29 = arith.constant 0 : index
    %get3A_30 = arith.constant 0 : index
    %get3A_31 = vector.load %arg5[%get3A_29, %get3A_30] : memref<1x256xf32, #tpu.memory_space<vmem>>, vector<1x256xf32>
    %add3A_32 = vector.broadcast %get3A_31 : vector<1x256xf32> to vector<256x256xf32>
    %add3A_33 = arith.addf %add3A, %add3A_32 : vector<256x256xf32>
    %max3A_34 = arith.constant 0.000000e+00 : f32
    %max3A_35 = vector.broadcast %max3A_34 : f32 to vector<256x256xf32>
    %max3A_36 = arith.maximumf %add3A_33, %max3A_35 : vector<256x256xf32>
    %get3A_37 = arith.constant 0 : index
    %get3A_38 = arith.constant 0 : index
    %get3A_39 = vector.load %arg6[%get3A_37, %get3A_38] : memref<256x128xf32, #tpu.memory_space<vmem>>, vector<256x128xf32>
    %dot_general3A_40 = arith.constant dense<0.000000e+00> : vector<256x128xf32>
    %dot_general3A_41 = tpu.matmul %max3A_36, %get3A_39, %dot_general3A_40 {dimension_numbers = #tpu.dot_dimension_numbers<[1], [0], [0], [1], [0, 0, 1, 1], [], []>, transpose_lhs_hint = false} : vector<256x256xf32>, vector<256x128xf32>, vector<256x128xf32> -> vector<256x128xf32>
    %get3A_42 = arith.constant 0 : index
    %get3A_43 = arith.constant 0 : index
    %get3A_44 = vector.load %arg7[%get3A_42, %get3A_43] : memref<1x128xf32, #tpu.memory_space<vmem>>, vector<1x128xf32>
    %add3A_45 = vector.broadcast %get3A_44 : vector<1x128xf32> to vector<256x128xf32>
    %add3A_46 = arith.addf %dot_general3A_41, %add3A_45 : vector<256x128xf32>
    %swap3A = arith.constant 0 : index
    %swap3A_47 = arith.constant 0 : index
    %swap3A_48 = vector.load %arg8[%swap3A, %swap3A_47] : memref<256x128xf32, #tpu.memory_space<vmem>>, vector<256x128xf32>
    tpu.vector_store %arg8[%swap3A, %swap3A_47], %add3A_46 {strides = array<i32>} : memref<256x128xf32, #tpu.memory_space<vmem>>, vector<256x128xf32>,
    return
  }
  func.func @transform_0(%arg0: i32) -> (i32, i32) {
    %c0_i32 = arith.constant 0 : i32
    %c0_i32_0 = arith.constant 0 : i32
    return %arg0, %c0_i32 : i32, i32
  }
  func.func @transform_1(%arg0: i32) -> (i32, i32) {
    %c0_i32 = arith.constant 0 : i32
    %c0_i32_0 = arith.constant 0 : i32
    return %arg0, %c0_i32 : i32, i32
  }
  func.func @transform_2(%arg0: i32) -> (i32, i32) {
    %c0_i32 = arith.constant 0 : i32
    %c0_i32_0 = arith.constant 0 : i32
    return %arg0, %c0_i32 : i32, i32
  }
  func.func @transform_3(%arg0: i32) -> (i32, i32) {
    %c0_i32 = arith.constant 0 : i32
    %c0_i32_0 = arith.constant 0 : i32
    %c0_i32_1 = arith.constant 0 : i32
    return %c0_i32, %c0_i32_0 : i32, i32
  }
  func.func @transform_4(%arg0: i32) -> (i32, i32) {
    %c0_i32 = arith.constant 0 : i32
    %c0_i32_0 = arith.constant 0 : i32
    %c0_i32_1 = arith.constant 0 : i32
    return %c0_i32, %c0_i32_0 : i32, i32
  }
  func.func @transform_5(%arg0: i32) -> (i32, i32) {
    %c0_i32 = arith.constant 0 : i32
    %c0_i32_0 = arith.constant 0 : i32
    %c0_i32_1 = arith.constant 0 : i32
    return %c0_i32, %c0_i32_0 : i32, i32
  }
  func.func @transform_6(%arg0: i32) -> (i32, i32) {
    %c0_i32 = arith.constant 0 : i32
    %c0_i32_0 = arith.constant 0 : i32
    %c0_i32_1 = arith.constant 0 : i32
    return %c0_i32, %c0_i32_0 : i32, i32
  }
  func.func @transform_7(%arg0: i32) -> (i32, i32) {
    %c0_i32 = arith.constant 0 : i32
    %c0_i32_0 = arith.constant 0 : i32
    return %arg0, %c0_i32 : i32, i32
  }
}

</mosaic_0001>

<sc_bundles>
// kernel: kernel.5.cloned.1.call-start
scs
__scs_entry_jumppad:
0x0: {  	(pc) =	sbr.rel $0x88, $3  }
0x1: {  	(tag) =	ssettag $0x0;
	lr =	simm.s32 $0x1  }
0x2: {  	[smem:$0x3F99] =	sst lr;
	_ =	strace $0xD0000000  }
0x3: {  	_ = 	snop  }
0x4: {  	_ = 	snop  }
0x5: {  	_ = 	snop  }
0x6: {  	_ = 	snop  }
0x7: {  	_ = 	snop  }
__scs_overlays_trampoline_lowered:
0x8: {  	[smem:$0x3FA8] =	sst s0  }
0x9: {  	[smem:$0x3FA9] =	sst s1  }
0xa: {  	[smem:$0x3FAA] =	sst s2  }
0xb: {  	[smem:$0x3FAB] =	sst s3  }
0xc: {  	[smem:$0x3FAC] =	sst s4  }
0xd: {  	[smem:$0x3FAD] =	sst s5  }
0xe: {  	[smem:$0x3FAE] =	sst s6  }
0xf: {  	[smem:$0x3FAF] =	sst s7  }
0x10: {  	[smem:$0x3FB0] =	sst s8  }
0x11: {  	[smem:$0x3FB1] =	sst s9;
	s0 =	simm.s32 @!p0 $0x0  }
0x12: {  	s1 =	sld [smem:$0x3F97];
	s0 =	simm.s32 @p0 $0x1  }
0x13: {  	[smem:$0x3FB2] =	sst s0;
	s0 =	simm.s32 @!p1 $0x0  }
0x14: {  	s2 =	sld [smem:$0x3F96];
	s0 =	simm.s32 @p1 $0x1  }
0x15: {  	[smem:$0x3FB3] =	sst s0;
	s0 =	simm.s32 @!p2 $0x0  }
0x16: {  	s3 =	sld [smem:$0x3FDB];
	s0 =	simm.s32 @p2 $0x1  }
0x17: {  	s4 =	simm.s32 $0x1BF5;
	[smem:$0x3FB5] =	sst s0  }
0x18: {  	s0 =	sld [smem:$0x3F98];
	_ =	swait.ge [sflag:s4], $0x0  }
0x19: {  	s7 =	sld [smem:$0x3F99]  }
0x1a: {  	s8 =	sadd.s32 $0xFFFFE003, lr  }
0x1b: {  	s9 =	sadd.s32 $0xFFFFFEF7, lr;
	s5 =	simm.s32 $0xFFFFFFFF;
	p2 =	slt.u32 s8, $0xFFFFF086  }
0x1c: {  	p1 =	slt.u32 s9, $0xF7A;
	s5 =	simm.s32 @!p2 $0x0  }
0x1d: {  	s5 =	simm.s32 @p1 $0x1;
	p0 =	seq.s32 s7, s2  }
0x1e: {  	s7 =	smul.u32 @!p0 $0xF7A, s2;
	p2 =	seq.s32 @!p0 s5, $0x0  }
0x1f: {  	s9 =	smul.u32 $0xF7A, s1;
	s8 =	simm.s32 @!p0 $0x1BF5;
	p2 =	por !p2, p0  }
0x20: {  	[sflag:s8] =	ssyncset.s32 @!p0 $0xFFFFF086;
	s6 =	sadd.s32 @!p0 s3, s7;
	s7 =	simm.s32 @!p0 $0x108  }
0x21: {  	s3 =	sadd.s32 s3, s9;
	s6 =	sadd.s32 @!p0 $0x88, s6;
	s7 =	simm.s32 @p2 $0x1082  }
0x22: {  	[simem:s7], [sflag:s8] =	dma.local @!p0 [hbm:s6], $0xF7A  }
0x23: {  	s9 =	sor.u32 $0xD0000000, s2;
	s6 =	simm.s32 $0x108;
	_ =	swait.ge @!p0 [sflag:s8], $0x0  }
0x24: {  	s3 =	sadd.s32 $0x88, s3;
	s6 =	simm.s32 @!p1 $0x1082;
	[sflag:s4] =	ssyncset.s32 $0xFFFFF086  }
0x25: {  	[simem:s6], [sflag:s4] =	dma.local [hbm:s3], $0xF7A  }
0x26: {  	[smem:$0x3F99] =	sst s1;
	(tag) =	ssettag s2;
	_ =	strace s9  }
0x27: {  	s1 =	sld [smem:$0x3FA9]  }
0x28: {  	s2 =	sld [smem:$0x3FAA]  }
0x29: {  	s4 =	sld [smem:$0x3FAC]  }
0x2a: {  	p0 =	seq.s32 s5, $0x0;
	s5 =	sld [smem:$0x3FAD]  }
0x2b: {  	s6 =	sld [smem:$0x3FAE]  }
0x2c: {  	s7 =	sld [smem:$0x3FAF]  }
0x2d: {  	s3 =	simm.s32 $0x108;
	s8 =	sld [smem:$0x3FB0]  }
0x2e: {  	s3 =	simm.s32 @!p0 $0x1082;
	s9 =	sld [smem:$0x3FB1]  }
0x2f: {  	lr =	sadd.s32 s0, s3;
	s0 =	sld [smem:$0x3FA8]  }
0x30: {  	s3 =	sld [smem:$0x3FAB]  }
0x31: {  	[smem:$0x3FB4] =	sst s10  }
0x32: {  	s10 =	sld [smem:$0x3FB2];
	_ =	sdelay $0x3  }
0x33: {  	p0 =	seq.s32 s10, $0x1;
	s10 =	sld [smem:$0x3FB4];
	_ =	sdelay $0x3  }
0x34: {  	[smem:$0x3FB4] =	sst s10  }
0x35: {  	s10 =	sld [smem:$0x3FB3];
	_ =	sdelay $0x3  }
0x36: {  	p1 =	seq.s32 s10, $0x1;
	s10 =	sld [smem:$0x3FB4];
	_ =	sdelay $0x3  }
0x37: {  	[smem:$0x3FB4] =	sst s10  }
0x38: {  	s10 =	sld [smem:$0x3FB5]  }
0x39: {  	_ = 	snop;
	(pc) =	sbr.ind lr, $3  }
0x3a: {  	_ = 	snop  }
0x3b: {  	_ = 	snop  }
0x3c: {  	p2 =	seq.s32 s10, $0x1;
	s10 =	sld [smem:$0x3FB4]  }
0x3d: {  	_ =	shalt  }
0x3e: {  	_ =	shalt  }
0x3f: {  	_ =	shalt  }
0x40: {  	_ =	shalt  }
0x41: {  	_ =	shalt  }
0x42: {  	_ =	shalt  }
0x43: {  	_ =	shalt  }
0x44: {  	_ =	shalt  }
0x45: {  	_ =	shalt  }
0x46: {  	_ =	shalt  }
0x47: {  	_ =	shalt  }
0x48: {  	_ =	shalt  }
0x49: {  	_ =	shalt  }
0x4a: {  	_ =	shalt  }
0x4b: {  	_ =	shalt  }
0x4c: {  	_ =	shalt  }
0x4d: {  	_ =	shalt  }
0x4e: {  	_ =	shalt  }
0x4f: {  	_ =	shalt  }
0x50: {  	_ =	shalt  }
0x51: {  	_ =	shalt  }
0x52: {  	_ =	shalt  }
0x53: {  	_ =	shalt  }
0x54: {  	_ =	shalt  }
0x55: {  	_ =	shalt  }
0x56: {  	_ =	shalt  }
0x57: {  	_ =	shalt  }
0x58: {  	_ =	shalt  }
0x59: {  	_ =	shalt  }
0x5a: {  	_ =	shalt  }
0x5b: {  	_ =	shalt  }
0x5c: {  	_ =	shalt  }
0x5d: {  	_ =	shalt  }
0x5e: {  	_ =	shalt  }
0x5f: {  	_ =	shalt  }
0x60: {  	_ =	shalt  }
0x61: {  	_ =	shalt  }
0x62: {  	_ =	shalt  }
0x63: {  	_ =	shalt  }
0x64: {  	_ =	shalt  }
0x65: {  	_ =	shalt  }
0x66: {  	_ =	shalt  }
0x67: {  	_ =	shalt  }
0x68: {  	_ =	shalt  }
0x69: {  	_ =	shalt  }
0x6a: {  	_ =	shalt  }
0x6b: {  	_ =	shalt  }
0x6c: {  	_ =	shalt  }
0x6d: {  	_ =	shalt  }
0x6e: {  	_ =	shalt  }
0x6f: {  	_ =	shalt  }
0x70: {  	_ =	shalt  }
0x71: {  	_ =	shalt  }
0x72: {  	_ =	shalt  }
0x73: {  	_ =	shalt  }
0x74: {  	_ =	shalt  }
0x75: {  	_ =	shalt  }
0x76: {  	_ =	shalt  }
0x77: {  	_ =	shalt  }
0x78: {  	_ =	shalt  }
0x79: {  	_ =	shalt  }
0x7a: {  	_ =	shalt  }
0x7b: {  	_ =	shalt  }
0x7c: {  	_ =	shalt  }
0x7d: {  	_ =	shalt  }
0x7e: {  	_ =	shalt  }
0x7f: {  	_ =	shalt  }
0x80: {  	_ =	shalt  }
0x81: {  	_ =	shalt  }
0x82: {  	_ =	shalt  }
0x83: {  	_ =	shalt  }
0x84: {  	_ =	shalt  }
0x85: {  	_ =	shalt  }
0x86: {  	_ =	shalt  }
0x87: {  	_ =	shalt  }
.Lfunc_end0:
.L_simem_size_0:
called_computation_lowered:
.L_overlay_start_0:
0x88: {  	s2 =	sld [smem:$0x3FD9]  }
0x89: {  	s3 =	sld [smem:$0x3FFE];
	_ =	sdelay $0x1  }
0x8a: {  	s1 =	srdreg.scid  }
0x8b: {  	s0 =	sand.u32 $0x1, s1  }
0x8c: {  	s17 =	sshll.u32 s0, $0xA;
	s2 =	sadd.s32 s3, s2  }
0x8d: {  	s2 =	sadd.s32 s2, s17  }
0x8e: {  	[smem:$0x3FC0] =	sst s2  }
0x8f: {  	_ = 	snop  }
0x90: {  	s2 =	sld [smem:$0x3FD0];
	(tm) =	ssettm $0x1  }
0x91: {  	s18 =	sld [smem:$0x3FFB];
	_ =	sdelay $0x3  }
0x92: {  	_ =	strace s18  }
0x93: {  	s3 =	sld [smem:$0x3FFC];
	_ =	sdelay $0x3  }
0x94: {  	_ =	strace s3  }
0x95: {  	s3 =	sld [smem:$0x3FFD];
	_ =	sdelay $0x3  }
0x96: {  	_ =	strace s3  }
0x97: {  	_ =	strace $0x8FFFFFFF  }
0x98: {  	s19 =	sld [smem:$0x3FDB];
	_ =	sdelay $0x1  }
0x99: {  	s4 =	simm.s32 $_scs_section_size  }
0x9a: {  	s5 =	simm.s32 $_size__tile_overlayer_lowered;
	s6 =	simm.s32 $_tile_overlayer_lowered  }
0x9b: {  	s22 =	simm.s32 $0x1BFF;
	s21 =	sshll.u32 s6, $0x1;
	s3 =	sadd.s32 s4, s19  }
0x9c: {  	s7 =	simm.s32 $0x0;
	s20 =	sshll.u32 s5, $0x1;
	s5 =	sadd.s32 s21, s3  }
0x9d: {  	[timem:s7], [sflag:s22] =	dma.local [hbm:s5], s20  }
0x9e: {  	_ =	swait.ge [sflag:s22], s20  }
0x9f: {  	s4 =	ssub.s32 $0x0, s20;
	[sflag:s22] =	ssyncset.done $0x0  }
0xa0: {  	[sflag:s22] =	ssyncadd.s32 s4;
	_ =	sdelay $0x1  }
0xa1: {  	s23 =	simm.s32 $0x1B8B  }
0xa2: {  	_ =	swait.ge [sflag:s23], $0x1  }
0xa3: {  	[sflag:s23] =	ssyncset.done $0x0  }
0xa4: {  	s25 =	simm.s32 $0x1B8E;
	s24 =	sld [smem:$0x3FFE];
	[sflag:s23] =	ssyncadd.s32 $0xFFFFFFFF  }
0xa5: {  	s26 =	simm.s32 $execute0_lowered;
	[smem:$0x3FD2] =	sst s25  }
0xa6: {  	s5 =	sshll.u32 s26, $0x1;
	_ =	strace $0x80000046;
	[dreg:$0x1] =	wrdreg $0xFFFFFFFF  }
0xa7: {  	s28 =	simm.s32 $_size_execute0_lowered;
	s3 =	sadd.s32 s3, s5;
	[dreg:$0x0] =	wrdreg $0x0  }
0xa8: {  	s5 =	sshll.u32 s28, $0x1;
	[dreg:$0x2] =	wrdreg s3  }
0xa9: {  	[dreg:$0x3] =	wrdreg s5  }
0xaa: {  	[dreg:$0x4] =	wrdreg $0xC0  }
0xab: {  	_ =	task [dreg:s7], $0x5FFFF  }
0xac: {  	[dreg:$0x1] =	wrdreg $0xFFFFFFFF  }
0xad: {  	[dreg:$0x0] =	wrdreg $0x60  }
0xae: {  	[dreg:$0x2] =	wrdreg s24  }
0xaf: {  	[dreg:$0x3] =	wrdreg s2  }
0xb0: {  	[dreg:$0x4] =	wrdreg $0x9  }
0xb1: {  	_ =	task.clear_ibuf [dreg:s7], $0x5FFFF;
	_ =	strace $0x90000046  }
0xb2: {  	s29 =	simm.s32 $0x9;
	_ =	strace $0x80000048  }
0xb3: {  	_ =	swait.ge [sflag:s29], $0x1  }
0xb4: {  	[sflag:s29] =	ssyncadd.s32 $0xFFFFFFFF  }
0xb5: {  	_ =	strace $0x90000048  }
0xb6: {  	_ =	sfence  }
0xb7: {  	s30 =	sld [smem:$0x0];
	_ =	sdelay $0x2  }
0xb8: {  	s31 =	sshll.u32 s1, $0xD;
	s1 =	sshrl.u32 s1, $0x2  }
0xb9: {  	s3 =	sand.u32 $0x4000, s31;
	s1 =	sadd.s32 s1, s30  }
0xba: {  	s0 =	sor.u32 s3, s0;
	s1 =	sshll.u32 s1, $0x11  }
0xbb: {  	s0 =	sor.u32 s1, s0  }
0xbc: {  	s0 =	sadd.s32 $0x8F2B, s0  }
0xbd: {  	[sflag:s0] =	ssyncadd.remote.s32 $0x1  }
0xbe: {  	_ =	sfence.sel $0xFFFF  }
0xbf: {  	[dreg:$0x0] =	wrdreg $0xFFFFFFFF;
	(pc) =	sbr.abs _section_cstart, $3  }
0xc0: {  	[dreg:$0x1] =	wrdreg $0xFFFFFFFF  }
0xc1: {  	_ =	task.clear_ibuf [dreg:s7], $0x2FFFF;
	_ =	strace $0x9FFFFFFF  }
0xc2: {  	(tm) =	ssettm $0x7FFFFFFF  }
0xc3: {  	_ =	shalt  }
tec
execute0_lowered:
.L_overlay_start_1:
0x0: {  	(tag) =	ssettag $0x1  }
0x1: {  	s0 =	rddreg [dreg:$0x0];
	s1 =	srdreg.scid  }
0x2: {  	s2 =	stileid.u32;
	s5 =	rddreg [dreg:$0x1];
	s17 =	simm.s32 $0x7  }
0x3: {  	s18 =	simm.s32 $0x1A0;
	s19 =	simm.s32 $0xD00;
	s20 =	simm.s32 $0x4100  }
0x4: {  	s21 =	simm.s32 $0x3;
	s22 =	simm.s32 $0x5;
	s24 =	simm.s32 $0x4  }
0x5: {  	s23 =	simm.s32 $0xD900;
	s1 =	sand.u32 $0x1, s1;
	s3 =	sshll.u32 s2, $0x1  }
0x6: {  	s28 =	simm.s32 $0x13D00;
	s29 =	simm.s32 $0x1;
	s6 =	sor.u32 s1, s3  }
0x7: {  	s30 =	simm.s32 $0x2;
	s2 =	simm.s32 $0x0;
	s4 =	smul.u32 $0x1A0, s6  }
0x8: {  	s10 =	sadd.s32 $0x417600, s0;
	[smem:$0x7FF] =	sst s2;
	s8 =	smul.u32 $0x1A000, s6  }
0x9: {  	s3 =	sadd.s32 $0x3E1A00, s0;
	s1 =	ssub.s32 $0x2, s1;
	s9 =	smul.u32 $0xC80, s6  }
0xa: {  	s11 =	sshrl.u32 s1, $0x1;
	s12 =	smul.u32 $0x3400, s6;
	s6 =	sshll.u32 s6, $0x9  }
0xb: {  	_ =	strace $0x80000047;
	s1 =	ssub.s32 s1, s11;
	s15 =	sadd.s32 s5, s6  }
0xc: {  	s7 =	sadd.s32 s4, s0;
	s4 =	sadd.s32 $0x1A00, s0;
	s8 =	sshrl.u32 s8, $0x3  }
0xd: {  	s0 =	sadd.s32 s9, s0;
	s25 =	sadd.s32 s10, s12;
	s16 =	smax.u32 s1, $0x1  }
0xe: {  	s1 =	simm.s32 $0x7500;
	s8 =	sadd.s32 s10, s8;
	s7 =	sadd.s32 $0x414200, s7  }
0xf: {  	[dreg:$0x4] =	wrdreg s25;
	s14 =	sadd.s32 $0x3FB200, s0;
	s25 =	simm.s32 $0x6  }
0x10: {  	s0 =	simm.s32 $0x320;
	[dreg:$0x3] =	wrdreg s7;
	s26 =	sadd.s32 $0x680, s8  }
0x11: {  	s31 =	sadd.s32 $0xD00, s8;
	s9 =	sadd.s32 $0x1380, s8;
	s10 =	sadd.s32 $0x1A00, s8  }
0x12: {  	s11 =	sadd.s32 $0x2080, s8;
	s12 =	sadd.s32 $0x2700, s8;
	[dreg:$0x5] =	wrdreg s26  }
0x13: {  	s13 =	sadd.s32 $0x2D80, s8;
	[dreg:$0x6] =	wrdreg s31;
	s26 =	simm.s32 $0x0  }
.LBB2_1:
0x14: {  	s5 =	rddreg [dreg:$0x3]  }
0x15: {  	[tilespmem:s2], [sflag:$0x7] =	stream.linear.gather [hbm4b:s5+s2], $0xD00, $0x38;
	[tilespmem:$0x1B100] =	vst v63  }
0x16: {  	_ =	swait.ge [sflag:s17], $0xD00  }
0x17: {  	[sflag:s17] =	ssyncset.done $0x0  }
0x18: {  	[sflag:s17] =	ssyncadd.s32 $0xFFFFF300  }
0x19: {  	[tilespmem:s19], [sflag:$0x3] =	stream.indirect.gather [hbm4b:s3+s18], $0x20, s2, s18, $0xb8;
	[tilespmem:$0x1B100] =	vst v63  }
0x1a: {  	_ = 	snop  }
0x1b: {  	[tilespmem:s20], [sflag:$0x4] =	stream.indirect.gather [hbm4b:s3+s18], $0x20, s18, s18, $0xb8;
	[tilespmem:$0x1B100] =	vst v63  }
0x1c: {  	_ =	swait.ge [sflag:s21], $0x3400  }
0x1d: {  	[sflag:s21] =	ssyncset.done $0x0  }
0x1e: {  	s8 =	rddreg [dreg:$0x4];
	[sflag:s21] =	ssyncadd.s32 $0xFFFFCC00  }
0x1f: {  	[hbm4b:s8+s2] =	stream.linear.scatter [tilespmem:s19], [sflag:$0x5], $0x3400, $0x38;
	[tilespmem:$0x1B100] =	vst v63  }
0x20: {  	_ =	swait.ge [sflag:s22], $0x3400  }
0x21: {  	[sflag:s22] =	ssyncset.done $0x0  }
0x22: {  	s6 =	simm.s32 $0x340;
	[sflag:s22] =	ssyncadd.s32 $0xFFFFCC00  }
0x23: {  	[tilespmem:s19], [sflag:$0x3] =	stream.indirect.gather [hbm4b:s3+s18], $0x20, s6, s18, $0xb8;
	[tilespmem:$0x1B100] =	vst v63  }
0x24: {  	_ =	swait.ge [sflag:s24], $0x3400  }
0x25: {  	[sflag:s24] =	ssyncset.done $0x0  }
0x26: {  	s7 =	rddreg [dreg:$0x5];
	[sflag:s24] =	ssyncadd.s32 $0xFFFFCC00  }
0x27: {  	[hbm4b:s7+s2] =	stream.linear.scatter [tilespmem:s20], [sflag:$0x6], $0x3400, $0x38;
	[tilespmem:$0x1B100] =	vst v63  }
0x28: {  	_ =	swait.ge [sflag:s25], $0x3400  }
0x29: {  	[sflag:s25] =	ssyncset.done $0x0  }
0x2a: {  	s8 =	simm.s32 $0x4E0;
	[sflag:s25] =	ssyncadd.s32 $0xFFFFCC00  }
0x2b: {  	[tilespmem:s20], [sflag:$0x4] =	stream.indirect.gather [hbm4b:s3+s18], $0x20, s8, s18, $0xb8;
	[tilespmem:$0x1B100] =	vst v63  }
0x2c: {  	_ =	swait.ge [sflag:s21], $0x3400  }
0x2d: {  	[sflag:s21] =	ssyncset.done $0x0  }
0x2e: {  	s6 =	rddreg [dreg:$0x6];
	[sflag:s21] =	ssyncadd.s32 $0xFFFFCC00  }
0x2f: {  	[hbm4b:s6+s2] =	stream.linear.scatter [tilespmem:s19], [sflag:$0x5], $0x3400, $0x38;
	[tilespmem:$0x1B100] =	vst v63  }
0x30: {  	_ =	swait.ge [sflag:s22], $0x3400  }
0x31: {  	[sflag:s22] =	ssyncset.done $0x0  }
0x32: {  	s7 =	simm.s32 $0x680;
	[sflag:s22] =	ssyncadd.s32 $0xFFFFCC00  }
0x33: {  	[tilespmem:s19], [sflag:$0x3] =	stream.indirect.gather [hbm4b:s3+s18], $0x20, s7, s18, $0xb8;
	[tilespmem:$0x1B100] =	vst v63  }
0x34: {  	_ =	swait.ge [sflag:s24], $0x3400  }
0x35: {  	[sflag:s24] =	ssyncset.done $0x0  }
0x36: {  	[sflag:s24] =	ssyncadd.s32 $0xFFFFCC00  }
0x37: {  	[hbm4b:s9+s2] =	stream.linear.scatter [tilespmem:s20], [sflag:$0x6], $0x3400, $0x38;
	[tilespmem:$0x1B100] =	vst v63  }
0x38: {  	_ =	swait.ge [sflag:s25], $0x3400  }
0x39: {  	[sflag:s25] =	ssyncset.done $0x0  }
0x3a: {  	s8 =	simm.s32 $0x820;
	[sflag:s25] =	ssyncadd.s32 $0xFFFFCC00  }
0x3b: {  	[tilespmem:s20], [sflag:$0x4] =	stream.indirect.gather [hbm4b:s3+s18], $0x20, s8, s18, $0xb8;
	[tilespmem:$0x1B100] =	vst v63  }
0x3c: {  	_ =	swait.ge [sflag:s21], $0x3400  }
0x3d: {  	[sflag:s21] =	ssyncset.done $0x0  }
0x3e: {  	[sflag:s21] =	ssyncadd.s32 $0xFFFFCC00  }
0x3f: {  	[hbm4b:s10+s2] =	stream.linear.scatter [tilespmem:s19], [sflag:$0x5], $0x3400, $0x38;
	[tilespmem:$0x1B100] =	vst v63  }
0x40: {  	_ =	swait.ge [sflag:s22], $0x3400  }
0x41: {  	[sflag:s22] =	ssyncset.done $0x0  }
0x42: {  	s6 =	simm.s32 $0x9C0;
	[sflag:s22] =	ssyncadd.s32 $0xFFFFCC00  }
0x43: {  	[tilespmem:s19], [sflag:$0x3] =	stream.indirect.gather [hbm4b:s3+s18], $0x20, s6, s18, $0xb8;
	[tilespmem:$0x1B100] =	vst v63  }
0x44: {  	_ =	swait.ge [sflag:s24], $0x3400  }
0x45: {  	[sflag:s24] =	ssyncset.done $0x0  }
0x46: {  	[sflag:s24] =	ssyncadd.s32 $0xFFFFCC00  }
0x47: {  	[hbm4b:s11+s2] =	stream.linear.scatter [tilespmem:s20], [sflag:$0x6], $0x3400, $0x38;
	[tilespmem:$0x1B100] =	vst v63  }
0x48: {  	_ =	swait.ge [sflag:s25], $0x3400  }
0x49: {  	[sflag:s25] =	ssyncset.done $0x0  }
0x4a: {  	s7 =	simm.s32 $0xB60;
	[sflag:s25] =	ssyncadd.s32 $0xFFFFCC00  }
0x4b: {  	[tilespmem:s20], [sflag:$0x4] =	stream.indirect.gather [hbm4b:s3+s18], $0x20, s7, s18, $0xb8;
	[tilespmem:$0x1B100] =	vst v63  }
0x4c: {  	_ =	swait.ge [sflag:s21], $0x3400  }
0x4d: {  	[sflag:s21] =	ssyncset.done $0x0  }
0x4e: {  	[sflag:s21] =	ssyncadd.s32 $0xFFFFCC00  }
0x4f: {  	[hbm4b:s12+s2] =	stream.linear.scatter [tilespmem:s19], [sflag:$0x5], $0x3400, $0x38;
	[tilespmem:$0x1B100] =	vst v63  }
0x50: {  	_ =	swait.ge [sflag:s24], $0x3400  }
0x51: {  	[sflag:s24] =	ssyncset.done $0x0  }
0x52: {  	[sflag:s24] =	ssyncadd.s32 $0xFFFFCC00  }
0x53: {  	[hbm4b:s13+s2] =	stream.linear.scatter [tilespmem:s20], [sflag:$0x6], $0x3400, $0x38;
	[tilespmem:$0x1B100] =	vst v63  }
0x54: {  	_ =	swait.ge [sflag:s22], $0x3400  }
0x55: {  	[sflag:s22] =	ssyncset.done $0x0  }
0x56: {  	[sflag:s22] =	ssyncadd.s32 $0xFFFFCC00  }
0x57: {  	_ =	swait.ge [sflag:s25], $0x3400  }
0x58: {  	[sflag:s25] =	ssyncset.done $0x0  }
0x59: {  	[sflag:s25] =	ssyncadd.s32 $0xFFFFCC00  }
0x5a: {  	[tilespmem:s1], [sflag:$0x7] =	stream.linear.gather [hbm4b:s14+s2], $0x6400, $0x38;
	[tilespmem:$0x1B100] =	vst v63  }
0x5b: {  	_ =	swait.ge [sflag:s17], $0x6400  }
0x5c: {  	[sflag:s17] =	ssyncset.done $0x0  }
0x5d: {  	[sflag:s17] =	ssyncadd.s32 $0xFFFF9C00  }
0x5e: {  	[tilespmem:s23], [sflag:$0x1] =	stream.indirect.gather [hbm4b:s4+s0], $0x20, s1, s0, $0xb8;
	[tilespmem:$0x1B100] =	vst v63  }
0x5f: {  	s31 =	simm.s32 $0x0;
	s8 =	simm.s32 $0x7820  }
0x60: {  	[tilespmem:s28], [sflag:$0x2] =	stream.indirect.gather [hbm4b:s4+s0], $0x20, s8, s0, $0xb8;
	[tilespmem:$0x1B100] =	vst v63  }
.LBB2_2:
0x61: {  	_ =	swait.ge [sflag:s29], $0x6400  }
0x62: {  	[sflag:s29] =	ssyncset.done $0x0  }
0x63: {  	s5 =	simm.s32 $0x0;
	[sflag:s29] =	ssyncadd.s32 $0xFFFF9C00  }
0x64: {  	v1 =	vld [tilespmem:s5+$0xD940]  }
0x65: {  	v0 =	vld [tilespmem:s5+$0xD950]  }
0x66: {  	v2 =	vld [tilespmem:s5+$0xD900]  }
0x67: {  	v4 =	vimm.f32 $0.0e+00;
	v3 =	vld [tilespmem:s5+$0xD910]  }
0x68: {  	s6 =	simm.s32 $0x200;
	v6 =	vimm.f32 $0.0e+00;
	v8 =	vimm.f32 $0.0e+00;
	v7 =	vimm.f32 $0.0e+00;
	v5 =	vld [tilespmem:s5+$0xD920]  }
.LBB2_3:
0x69: {  	p0 =	sne.s32 s6, $0x6200;
	v9 =	vld [tilespmem:s5+$0xD930];
	v10 =	vmov v1  }
0x6a: {  	v11 =	vld [tilespmem:s5+$0xD960];
	v12 =	vmov v0  }
0x6b: {  	v13 =	vld [tilespmem:s5+$0xD970];
	s5 =	sshra.s32 s6, $0x2  }
.Ltmp0:
0x6c: {  	v1 =	vld [tilespmem:s5+$0xD940];
	(pc) =	sbr.rel @p0 .LBB2_3-.Ltmp0, $4  }
0x6d: {  	v4 =	vadd.f32 v2, v4;
	v6 =	vadd.f32 v3, v6;
	v0 =	vld [tilespmem:s5+$0xD950]  }
0x6e: {  	v8 =	vadd.f32 v5, v8;
	v2 =	vld [tilespmem:s5+$0xD900];
	v7 =	vadd.f32 v9, v7  }
0x6f: {  	v4 =	vadd.f32 v10, v4;
	v6 =	vadd.f32 v12, v6;
	v3 =	vld [tilespmem:s5+$0xD910]  }
0x70: {  	s6 =	sadd.s32 $0x200, s6;
	v8 =	vadd.f32 v11, v8;
	v5 =	vld [tilespmem:s5+$0xD920];
	v7 =	vadd.f32 v13, v7  }
0x71: {  	v9 =	vld [tilespmem:s5+$0xD930]  }
0x72: {  	v10 =	vld [tilespmem:s5+$0xD960]  }
0x73: {  	v11 =	vld [tilespmem:s5+$0xD970];
	_ =	sdelay $0x1  }
0x74: {  	v2 =	vadd.f32 v2, v4;
	v4 =	vadd.f32 v5, v8  }
0x75: {  	v3 =	vadd.f32 v3, v6;
	v5 =	vadd.f32 v9, v7  }
0x76: {  	v1 =	vadd.f32 v1, v2;
	v2 =	vadd.f32 v10, v4  }
0x77: {  	v0 =	vadd.f32 v0, v3;
	v3 =	vadd.f32 v11, v5  }
0x78: {  	s8 =	sshll.u32 s31, $0xA;
	v1 =	vadd.f32 v2, v1  }
0x79: {  	s5 =	sshra.s32 s8, $0x2;
	v0 =	vadd.f32 v3, v0  }
0x7a: {  	[tilespmem:s5+$0x1A100] =	vst v1  }
0x7b: {  	s6 =	simm.s32 $0x0;
	[tilespmem:s5+$0x1A110] =	vst v0  }
0x7c: {  	v1 =	vld [tilespmem:s6+$0xF240]  }
0x7d: {  	v0 =	vld [tilespmem:s6+$0xF250]  }
0x7e: {  	v2 =	vld [tilespmem:s6+$0xF200]  }
0x7f: {  	v6 =	vimm.f32 $0.0e+00;
	v3 =	vld [tilespmem:s6+$0xF210]  }
0x80: {  	s7 =	simm.s32 $0x200;
	v8 =	vimm.f32 $0.0e+00;
	v7 =	vimm.f32 $0.0e+00;
	v4 =	vimm.f32 $0.0e+00;
	v5 =	vld [tilespmem:s6+$0xF220]  }
.LBB2_5:
0x81: {  	p0 =	sne.s32 s7, $0x6200;
	v9 =	vld [tilespmem:s6+$0xF230];
	v10 =	vmov v1  }
0x82: {  	v11 =	vld [tilespmem:s6+$0xF260];
	v12 =	vmov v0  }
0x83: {  	v13 =	vld [tilespmem:s6+$0xF270];
	s6 =	sshra.s32 s7, $0x2  }
.Ltmp1:
0x84: {  	v1 =	vld [tilespmem:s6+$0xF240];
	(pc) =	sbr.rel @p0 .LBB2_5-.Ltmp1, $4  }
0x85: {  	v4 =	vadd.f32 v2, v4;
	v6 =	vadd.f32 v3, v6;
	v0 =	vld [tilespmem:s6+$0xF250]  }
0x86: {  	v8 =	vadd.f32 v5, v8;
	v2 =	vld [tilespmem:s6+$0xF200];
	v7 =	vadd.f32 v9, v7  }
0x87: {  	v4 =	vadd.f32 v10, v4;
	v6 =	vadd.f32 v12, v6;
	v3 =	vld [tilespmem:s6+$0xF210]  }
0x88: {  	s7 =	sadd.s32 $0x200, s7;
	v8 =	vadd.f32 v11, v8;
	v5 =	vld [tilespmem:s6+$0xF220];
	v7 =	vadd.f32 v13, v7  }
0x89: {  	v9 =	vld [tilespmem:s6+$0xF230]  }
0x8a: {  	v10 =	vld [tilespmem:s6+$0xF260]  }
0x8b: {  	v11 =	vld [tilespmem:s6+$0xF270];
	_ =	sdelay $0x1  }
0x8c: {  	v2 =	vadd.f32 v2, v4;
	v4 =	vadd.f32 v5, v8  }
0x8d: {  	v3 =	vadd.f32 v3, v6;
	v5 =	vadd.f32 v9, v7  }
0x8e: {  	v1 =	vadd.f32 v1, v2;
	v2 =	vadd.f32 v10, v4  }
0x8f: {  	v0 =	vadd.f32 v0, v3;
	v3 =	vadd.f32 v11, v5  }
0x90: {  	v1 =	vadd.f32 v2, v1  }
0x91: {  	v0 =	vadd.f32 v3, v0  }
0x92: {  	[tilespmem:s5+$0x1A120] =	vst v1  }
0x93: {  	s6 =	simm.s32 $0x0;
	[tilespmem:s5+$0x1A130] =	vst v0  }
0x94: {  	v1 =	vld [tilespmem:s6+$0x10B40]  }
0x95: {  	v0 =	vld [tilespmem:s6+$0x10B50]  }
0x96: {  	v2 =	vld [tilespmem:s6+$0x10B00]  }
0x97: {  	v6 =	vimm.f32 $0.0e+00;
	v3 =	vld [tilespmem:s6+$0x10B10]  }
0x98: {  	s7 =	simm.s32 $0x200;
	v8 =	vimm.f32 $0.0e+00;
	v7 =	vimm.f32 $0.0e+00;
	v4 =	vimm.f32 $0.0e+00;
	v5 =	vld [tilespmem:s6+$0x10B20]  }
.LBB2_7:
0x99: {  	p0 =	sne.s32 s7, $0x6200;
	v9 =	vld [tilespmem:s6+$0x10B30];
	v10 =	vmov v1  }
0x9a: {  	v11 =	vld [tilespmem:s6+$0x10B60];
	v12 =	vmov v0  }
0x9b: {  	v13 =	vld [tilespmem:s6+$0x10B70];
	s6 =	sshra.s32 s7, $0x2  }
.Ltmp2:
0x9c: {  	v1 =	vld [tilespmem:s6+$0x10B40];
	(pc) =	sbr.rel @p0 .LBB2_7-.Ltmp2, $4  }
0x9d: {  	v4 =	vadd.f32 v2, v4;
	v6 =	vadd.f32 v3, v6;
	v0 =	vld [tilespmem:s6+$0x10B50]  }
0x9e: {  	v8 =	vadd.f32 v5, v8;
	v2 =	vld [tilespmem:s6+$0x10B00];
	v7 =	vadd.f32 v9, v7  }
0x9f: {  	v4 =	vadd.f32 v10, v4;
	v6 =	vadd.f32 v12, v6;
	v3 =	vld [tilespmem:s6+$0x10B10]  }
0xa0: {  	s7 =	sadd.s32 $0x200, s7;
	v8 =	vadd.f32 v11, v8;
	v5 =	vld [tilespmem:s6+$0x10B20];
	v7 =	vadd.f32 v13, v7  }
0xa1: {  	v9 =	vld [tilespmem:s6+$0x10B30]  }
0xa2: {  	v10 =	vld [tilespmem:s6+$0x10B60]  }
0xa3: {  	v11 =	vld [tilespmem:s6+$0x10B70];
	_ =	sdelay $0x1  }
0xa4: {  	v2 =	vadd.f32 v2, v4;
	v4 =	vadd.f32 v5, v8  }
0xa5: {  	v3 =	vadd.f32 v3, v6;
	v5 =	vadd.f32 v9, v7  }
0xa6: {  	v1 =	vadd.f32 v1, v2;
	v2 =	vadd.f32 v10, v4  }
0xa7: {  	v0 =	vadd.f32 v0, v3;
	v3 =	vadd.f32 v11, v5  }
0xa8: {  	v1 =	vadd.f32 v2, v1  }
0xa9: {  	v0 =	vadd.f32 v3, v0  }
0xaa: {  	[tilespmem:s5+$0x1A140] =	vst v1  }
0xab: {  	s6 =	simm.s32 $0x0;
	[tilespmem:s5+$0x1A150] =	vst v0  }
0xac: {  	v1 =	vld [tilespmem:s6+$0x12440]  }
0xad: {  	v0 =	vld [tilespmem:s6+$0x12450]  }
0xae: {  	v2 =	vld [tilespmem:s6+$0x12400]  }
0xaf: {  	v6 =	vimm.f32 $0.0e+00;
	v3 =	vld [tilespmem:s6+$0x12410]  }
0xb0: {  	s7 =	simm.s32 $0x200;
	v8 =	vimm.f32 $0.0e+00;
	v7 =	vimm.f32 $0.0e+00;
	v4 =	vimm.f32 $0.0e+00;
	v5 =	vld [tilespmem:s6+$0x12420]  }
.LBB2_9:
0xb1: {  	p0 =	sne.s32 s7, $0x6200;
	v9 =	vld [tilespmem:s6+$0x12430];
	v10 =	vmov v1  }
0xb2: {  	v11 =	vld [tilespmem:s6+$0x12460];
	v12 =	vmov v0  }
0xb3: {  	v13 =	vld [tilespmem:s6+$0x12470];
	s6 =	sshra.s32 s7, $0x2  }
.Ltmp3:
0xb4: {  	v1 =	vld [tilespmem:s6+$0x12440];
	(pc) =	sbr.rel @p0 .LBB2_9-.Ltmp3, $4  }
0xb5: {  	v4 =	vadd.f32 v2, v4;
	v6 =	vadd.f32 v3, v6;
	v0 =	vld [tilespmem:s6+$0x12450]  }
0xb6: {  	v8 =	vadd.f32 v5, v8;
	v2 =	vld [tilespmem:s6+$0x12400];
	v7 =	vadd.f32 v9, v7  }
0xb7: {  	v4 =	vadd.f32 v10, v4;
	v6 =	vadd.f32 v12, v6;
	v3 =	vld [tilespmem:s6+$0x12410]  }
0xb8: {  	s7 =	sadd.s32 $0x200, s7;
	v8 =	vadd.f32 v11, v8;
	v5 =	vld [tilespmem:s6+$0x12420];
	v7 =	vadd.f32 v13, v7  }
0xb9: {  	v9 =	vld [tilespmem:s6+$0x12430]  }
0xba: {  	v10 =	vld [tilespmem:s6+$0x12460]  }
0xbb: {  	v11 =	vld [tilespmem:s6+$0x12470];
	_ =	sdelay $0x1  }
0xbc: {  	v2 =	vadd.f32 v2, v4;
	v4 =	vadd.f32 v5, v8  }
0xbd: {  	v3 =	vadd.f32 v3, v6;
	v5 =	vadd.f32 v9, v7  }
0xbe: {  	s6 =	sshll.u32 s31, $0x1;
	v1 =	vadd.f32 v1, v2;
	v2 =	vadd.f32 v10, v4  }
0xbf: {  	s7 =	smin.u32 s6, $0x1D;
	v0 =	vadd.f32 v0, v3;
	v3 =	vadd.f32 v11, v5  }
0xc0: {  	s7 =	smul.u32 $0xC80, s7;
	v1 =	vadd.f32 v2, v1  }
0xc1: {  	v0 =	vadd.f32 v3, v0  }
0xc2: {  	s7 =	sshrl.u32 s7, $0x2;
	[tilespmem:s5+$0x1A160] =	vst v1  }
0xc3: {  	s7 =	sadd.s32 $0x7B40, s7;
	[tilespmem:s5+$0x1A170] =	vst v0  }
0xc4: {  	[tilespmem:s23], [sflag:$0x1] =	stream.indirect.gather [hbm4b:s4+s0], $0x20, s7, s0, $0xb8;
	[tilespmem:$0x1B100] =	vst v63  }
0xc5: {  	_ =	swait.ge [sflag:s30], $0x6400  }
0xc6: {  	[sflag:s30] =	ssyncset.done $0x0  }
0xc7: {  	s7 =	simm.s32 $0x0;
	[sflag:s30] =	ssyncadd.s32 $0xFFFF9C00  }
0xc8: {  	v1 =	vld [tilespmem:s7+$0x13D40]  }
0xc9: {  	v0 =	vld [tilespmem:s7+$0x13D50]  }
0xca: {  	v2 =	vld [tilespmem:s7+$0x13D00]  }
0xcb: {  	v6 =	vimm.f32 $0.0e+00;
	v3 =	vld [tilespmem:s7+$0x13D10]  }
0xcc: {  	s8 =	simm.s32 $0x200;
	v8 =	vimm.f32 $0.0e+00;
	v7 =	vimm.f32 $0.0e+00;
	v4 =	vimm.f32 $0.0e+00;
	v5 =	vld [tilespmem:s7+$0x13D20]  }
.LBB2_11:
0xcd: {  	p0 =	sne.s32 s8, $0x6200;
	v9 =	vld [tilespmem:s7+$0x13D30];
	v10 =	vmov v1  }
0xce: {  	v11 =	vld [tilespmem:s7+$0x13D60];
	v12 =	vmov v0  }
0xcf: {  	v13 =	vld [tilespmem:s7+$0x13D70];
	s7 =	sshra.s32 s8, $0x2  }
.Ltmp4:
0xd0: {  	v1 =	vld [tilespmem:s7+$0x13D40];
	(pc) =	sbr.rel @p0 .LBB2_11-.Ltmp4, $4  }
0xd1: {  	v4 =	vadd.f32 v2, v4;
	v6 =	vadd.f32 v3, v6;
	v0 =	vld [tilespmem:s7+$0x13D50]  }
0xd2: {  	v8 =	vadd.f32 v5, v8;
	v2 =	vld [tilespmem:s7+$0x13D00];
	v7 =	vadd.f32 v9, v7  }
0xd3: {  	v4 =	vadd.f32 v10, v4;
	v6 =	vadd.f32 v12, v6;
	v3 =	vld [tilespmem:s7+$0x13D10]  }
0xd4: {  	s8 =	sadd.s32 $0x200, s8;
	v8 =	vadd.f32 v11, v8;
	v5 =	vld [tilespmem:s7+$0x13D20];
	v7 =	vadd.f32 v13, v7  }
0xd5: {  	v9 =	vld [tilespmem:s7+$0x13D30]  }
0xd6: {  	v10 =	vld [tilespmem:s7+$0x13D60]  }
0xd7: {  	v11 =	vld [tilespmem:s7+$0x13D70];
	_ =	sdelay $0x1  }
0xd8: {  	v2 =	vadd.f32 v2, v4;
	v4 =	vadd.f32 v5, v8  }
0xd9: {  	v3 =	vadd.f32 v3, v6;
	v5 =	vadd.f32 v9, v7  }
0xda: {  	v1 =	vadd.f32 v1, v2;
	v2 =	vadd.f32 v10, v4  }
0xdb: {  	v0 =	vadd.f32 v0, v3;
	v3 =	vadd.f32 v11, v5  }
0xdc: {  	v1 =	vadd.f32 v2, v1  }
0xdd: {  	v0 =	vadd.f32 v3, v0  }
0xde: {  	[tilespmem:s5+$0x1A180] =	vst v1  }
0xdf: {  	s7 =	simm.s32 $0x0;
	[tilespmem:s5+$0x1A190] =	vst v0  }
0xe0: {  	v1 =	vld [tilespmem:s7+$0x15640]  }
0xe1: {  	v0 =	vld [tilespmem:s7+$0x15650]  }
0xe2: {  	v2 =	vld [tilespmem:s7+$0x15600]  }
0xe3: {  	v6 =	vimm.f32 $0.0e+00;
	v3 =	vld [tilespmem:s7+$0x15610]  }
0xe4: {  	s8 =	simm.s32 $0x200;
	v8 =	vimm.f32 $0.0e+00;
	v7 =	vimm.f32 $0.0e+00;
	v4 =	vimm.f32 $0.0e+00;
	v5 =	vld [tilespmem:s7+$0x15620]  }
.LBB2_13:
0xe5: {  	p0 =	sne.s32 s8, $0x6200;
	v9 =	vld [tilespmem:s7+$0x15630];
	v10 =	vmov v1  }
0xe6: {  	v11 =	vld [tilespmem:s7+$0x15660];
	v12 =	vmov v0  }
0xe7: {  	v13 =	vld [tilespmem:s7+$0x15670];
	s7 =	sshra.s32 s8, $0x2  }
.Ltmp5:
0xe8: {  	v1 =	vld [tilespmem:s7+$0x15640];
	(pc) =	sbr.rel @p0 .LBB2_13-.Ltmp5, $4  }
0xe9: {  	v4 =	vadd.f32 v2, v4;
	v6 =	vadd.f32 v3, v6;
	v0 =	vld [tilespmem:s7+$0x15650]  }
0xea: {  	v8 =	vadd.f32 v5, v8;
	v2 =	vld [tilespmem:s7+$0x15600];
	v7 =	vadd.f32 v9, v7  }
0xeb: {  	v4 =	vadd.f32 v10, v4;
	v6 =	vadd.f32 v12, v6;
	v3 =	vld [tilespmem:s7+$0x15610]  }
0xec: {  	s8 =	sadd.s32 $0x200, s8;
	v8 =	vadd.f32 v11, v8;
	v5 =	vld [tilespmem:s7+$0x15620];
	v7 =	vadd.f32 v13, v7  }
0xed: {  	v9 =	vld [tilespmem:s7+$0x15630]  }
0xee: {  	v10 =	vld [tilespmem:s7+$0x15660]  }
0xef: {  	v11 =	vld [tilespmem:s7+$0x15670];
	_ =	sdelay $0x1  }
0xf0: {  	v2 =	vadd.f32 v2, v4;
	v4 =	vadd.f32 v5, v8  }
0xf1: {  	v3 =	vadd.f32 v3, v6;
	v5 =	vadd.f32 v9, v7  }
0xf2: {  	v1 =	vadd.f32 v1, v2;
	v2 =	vadd.f32 v10, v4  }
0xf3: {  	v0 =	vadd.f32 v0, v3;
	v3 =	vadd.f32 v11, v5  }
0xf4: {  	v1 =	vadd.f32 v2, v1  }
0xf5: {  	v0 =	vadd.f32 v3, v0  }
0xf6: {  	[tilespmem:s5+$0x1A1A0] =	vst v1  }
0xf7: {  	s7 =	simm.s32 $0x0;
	[tilespmem:s5+$0x1A1B0] =	vst v0  }
0xf8: {  	v1 =	vld [tilespmem:s7+$0x16F40]  }
0xf9: {  	v0 =	vld [tilespmem:s7+$0x16F50]  }
0xfa: {  	v2 =	vld [tilespmem:s7+$0x16F00]  }
0xfb: {  	v6 =	vimm.f32 $0.0e+00;
	v3 =	vld [tilespmem:s7+$0x16F10]  }
0xfc: {  	s8 =	simm.s32 $0x200;
	v8 =	vimm.f32 $0.0e+00;
	v7 =	vimm.f32 $0.0e+00;
	v4 =	vimm.f32 $0.0e+00;
	v5 =	vld [tilespmem:s7+$0x16F20]  }
.LBB2_15:
0xfd: {  	p0 =	sne.s32 s8, $0x6200;
	v9 =	vld [tilespmem:s7+$0x16F30];
	v10 =	vmov v1  }
0xfe: {  	v11 =	vld [tilespmem:s7+$0x16F60];
	v12 =	vmov v0  }
0xff: {  	v13 =	vld [tilespmem:s7+$0x16F70];
	s7 =	sshra.s32 s8, $0x2  }
.Ltmp6:
0x100: {  	v1 =	vld [tilespmem:s7+$0x16F40];
	(pc) =	sbr.rel @p0 .LBB2_15-.Ltmp6, $4  }
0x101: {  	v4 =	vadd.f32 v2, v4;
	v6 =	vadd.f32 v3, v6;
	v0 =	vld [tilespmem:s7+$0x16F50]  }
0x102: {  	v8 =	vadd.f32 v5, v8;
	v2 =	vld [tilespmem:s7+$0x16F00];
	v7 =	vadd.f32 v9, v7  }
0x103: {  	v4 =	vadd.f32 v10, v4;
	v6 =	vadd.f32 v12, v6;
	v3 =	vld [tilespmem:s7+$0x16F10]  }
0x104: {  	s8 =	sadd.s32 $0x200, s8;
	v8 =	vadd.f32 v11, v8;
	v5 =	vld [tilespmem:s7+$0x16F20];
	v7 =	vadd.f32 v13, v7  }
0x105: {  	v9 =	vld [tilespmem:s7+$0x16F30]  }
0x106: {  	v10 =	vld [tilespmem:s7+$0x16F60]  }
0x107: {  	v11 =	vld [tilespmem:s7+$0x16F70];
	_ =	sdelay $0x1  }
0x108: {  	v2 =	vadd.f32 v2, v4;
	v4 =	vadd.f32 v5, v8  }
0x109: {  	v3 =	vadd.f32 v3, v6;
	v5 =	vadd.f32 v9, v7  }
0x10a: {  	v1 =	vadd.f32 v1, v2;
	v2 =	vadd.f32 v10, v4  }
0x10b: {  	v0 =	vadd.f32 v0, v3;
	v3 =	vadd.f32 v11, v5  }
0x10c: {  	v1 =	vadd.f32 v2, v1  }
0x10d: {  	v0 =	vadd.f32 v3, v0  }
0x10e: {  	[tilespmem:s5+$0x1A1C0] =	vst v1  }
0x10f: {  	s7 =	simm.s32 $0x0;
	[tilespmem:s5+$0x1A1D0] =	vst v0  }
0x110: {  	v1 =	vld [tilespmem:s7+$0x18840]  }
0x111: {  	v0 =	vld [tilespmem:s7+$0x18850]  }
0x112: {  	v2 =	vld [tilespmem:s7+$0x18800]  }
0x113: {  	v6 =	vimm.f32 $0.0e+00;
	v3 =	vld [tilespmem:s7+$0x18810]  }
0x114: {  	s8 =	simm.s32 $0x200;
	v8 =	vimm.f32 $0.0e+00;
	v7 =	vimm.f32 $0.0e+00;
	v4 =	vimm.f32 $0.0e+00;
	v5 =	vld [tilespmem:s7+$0x18820]  }
.LBB2_17:
0x115: {  	p0 =	sne.s32 s8, $0x6200;
	v9 =	vld [tilespmem:s7+$0x18830];
	v10 =	vmov v1  }
0x116: {  	v11 =	vld [tilespmem:s7+$0x18860];
	v12 =	vmov v0  }
0x117: {  	v13 =	vld [tilespmem:s7+$0x18870];
	s7 =	sshra.s32 s8, $0x2  }
.Ltmp7:
0x118: {  	v1 =	vld [tilespmem:s7+$0x18840];
	(pc) =	sbr.rel @p0 .LBB2_17-.Ltmp7, $4  }
0x119: {  	v4 =	vadd.f32 v2, v4;
	v6 =	vadd.f32 v3, v6;
	v0 =	vld [tilespmem:s7+$0x18850]  }
0x11a: {  	v8 =	vadd.f32 v5, v8;
	v2 =	vld [tilespmem:s7+$0x18800];
	v7 =	vadd.f32 v9, v7  }
0x11b: {  	v4 =	vadd.f32 v10, v4;
	v6 =	vadd.f32 v12, v6;
	v3 =	vld [tilespmem:s7+$0x18810]  }
0x11c: {  	s8 =	sadd.s32 $0x200, s8;
	v8 =	vadd.f32 v11, v8;
	v5 =	vld [tilespmem:s7+$0x18820];
	v7 =	vadd.f32 v13, v7  }
0x11d: {  	v9 =	vld [tilespmem:s7+$0x18830]  }
0x11e: {  	v10 =	vld [tilespmem:s7+$0x18860]  }
0x11f: {  	v11 =	vld [tilespmem:s7+$0x18870];
	_ =	sdelay $0x1  }
0x120: {  	v2 =	vadd.f32 v2, v4;
	v60 =	vadd.f32 v5, v8  }
0x121: {  	v3 =	vadd.f32 v3, v6;
	v61 =	vadd.f32 v9, v7  }
0x122: {  	s6 =	smin.u32 s6, $0x1C;
	s31 =	sadd.s32 $0x1, s31;
	v1 =	vadd.f32 v1, v2;
	v62 =	vadd.f32 v10, v60  }
0x123: {  	s6 =	smul.u32 $0xC80, s6;
	p0 =	sne.s32 s31, $0x10;
	v0 =	vadd.f32 v0, v3;
	v63 =	vadd.f32 v11, v61  }
.Ltmp8:
0x124: {  	v1 =	vadd.f32 v62, v1;
	(pc) =	sbr.rel @p0 .LBB2_2-.Ltmp8, $4  }
0x125: {  	v0 =	vadd.f32 v63, v0  }
0x126: {  	s6 =	sshrl.u32 s6, $0x2;
	[tilespmem:s5+$0x1A1E0] =	vst v1  }
0x127: {  	s8 =	sadd.s32 $0x7E60, s6;
	[tilespmem:s5+$0x1A1F0] =	vst v0  }
0x128: {  	[tilespmem:s28], [sflag:$0x2] =	stream.indirect.gather [hbm4b:s4+s0], $0x20, s8, s0, $0xb8;
	[tilespmem:$0x1B100] =	vst v63  }
0x129: {  	_ =	swait.ge [sflag:s29], $0x6400  }
0x12a: {  	[sflag:s29] =	ssyncset.done $0x0  }
0x12b: {  	[sflag:s29] =	ssyncadd.s32 $0xFFFF9C00  }
0x12c: {  	s26 =	sadd.s32 $0x1, s26;
	_ =	swait.ge [sflag:s30], $0x6400  }
0x12d: {  	p0 =	sne.s32 s26, s16;
	[sflag:s30] =	ssyncset.done $0x0  }
.Ltmp9:
0x12e: {  	s5 =	simm.s32 $0x1A100;
	[sflag:s30] =	ssyncadd.s32 $0xFFFF9C00;
	(pc) =	sbr.rel @p0 .LBB2_1-.Ltmp9, $4  }
0x12f: {  	[hbm4b:s15+s2] =	stream.linear.scatter [tilespmem:s5], [sflag:$0x7], $0x1000, $0x38;
	[tilespmem:$0x1B100] =	vst v63  }
0x130: {  	_ =	swait.ge [sflag:s17], $0x1000  }
0x131: {  	[sflag:s17] =	ssyncset.done $0x0  }
0x132: {  	[sflag:s17] =	ssyncadd.s32 $0xFFFFF000  }
0x133: {  	_ =	sfence.sel $0x180000  }
0x134: {  	[bflag:$0x0] =	sbarrier.arrive $0xFFFF  }
0x135: {  	_ =	strace $0x90000047  }
0x136: {  	s0 =	stileid.u32;
	[bflag:$0x2] =	sbarrier.arrive $0xFFFF  }
0x137: {  	p0 =	sne.s32 s0, $0x0;
	s0 =	rddreg [dreg:$0x2]  }
0x138: {  	s0 =	sadd.s32 @!p0 $0x100000, s0  }
0x139: {  	[sflag:s0] =	ssyncadd.tile.s32 @!p0 $0x1;
	_ =	shalt  }
.Lfunc_end2:
_tile_overlayer_lowered:
.L_overlay_start_2:
0x13a: {  	(tag) =	ssettag $0x2  }
0x13b: {  	s0 =	rddreg [dreg:$0x0];
	s2 =	stileid.u32  }
0x13c: {  	s1 =	rddreg [dreg:$0x1];
	p0 =	sne.s32 s2, $0x0  }
0x13d: {  	s3 =	rddreg [dreg:$0x2];
	[bflag:$0x3] =	sbarrier.arrive $0xFFFF;
	s2 =	simm.s32 @!p0 $0x1C07  }
0x13e: {  	[timem:s3], [sflag:s2] =	dma.local @!p0 [hbm:s0], s1  }
0x13f: {  	s0 =	simm.s32 @!p0 $0x7  }
0x140: {  	_ =	swait.ge @!p0 [sflag:s0], s1  }
0x141: {  	s1 =	ssub.s32 @!p0 $0x0, s1;
	[sflag:s0] =	ssyncset.done @!p0 $0x0  }
0x142: {  	[sflag:s0] =	ssyncadd.s32 @!p0 s1  }
0x143: {  	[bflag:$0x3] =	sbarrier.arrive $0xFFFF  }
0x144: {  	_ =	shalt  }

</sc_bundles>
